<compile_context>
chip_gen: v7x
topology: tpu7x:2x2x1
jax: 0.10.2.dev20260603
libtpu: 0.0.44.dev20260713+nightly
codegen_flags: <defaults>
</compile_context>

<pallas_src>
import jax
import jax.numpy as jnp
from jax import lax
from jax.experimental import pallas as pl
from jax.experimental.pallas import tpu as pltpu
from jax.experimental.pallas import tpu_sc as plsc

DIM = 128
HALF = 64
NXY = 1024
INV_D = 1024.0
N_POINTS = 1024 * 200
NW = 32
CHUNK = 128
PER_W = N_POINTS // NW
N_CHUNKS = PER_W // CHUNK


def _sc_body(t_hbm, w_hbm, b_hbm, table_hbm, out_hbm,
             tbuf, idxA, idxB, gbufA, gbufB, stageA, stageB, wbuf, bbuf,
             semA, semB, wsemA, wsemB):
    wid = lax.axis_index("s") * 2 + lax.axis_index("c")
    base_pt = wid * PER_W

    pltpu.sync_copy(w_hbm, wbuf)
    pltpu.sync_copy(b_hbm, bbuf)
    pltpu.sync_copy(t_hbm.at[pl.ds(base_pt * 2, PER_W * 2)], tbuf)
    w0 = [wbuf[pl.ds(k * 16, 16)] for k in range(4)]
    w1 = [wbuf[pl.ds(64 + k * 16, 16)] for k in range(4)]
    bb = [bbuf[pl.ds(k * 16, 16)] for k in range(4)]
    lanes = lax.broadcasted_iota(jnp.int32, (16,), 0)

    def compute_idx(c, idxbuf):
        for g in range(CHUNK // 16):
            xi = c * (CHUNK * 2) + jnp.int32(g * 32) + 2 * lanes
            xv = plsc.load_gather(tbuf, [xi])
            yv = plsc.load_gather(tbuf, [xi + 1])
            ix = jnp.clip((xv * INV_D).astype(jnp.int32), 0, NXY - 1)
            iy = jnp.clip((yv * INV_D).astype(jnp.int32), 0, NXY - 1)
            idxbuf[pl.ds(g * 16, 16)] = ix * NXY + iy

    def gather_op(idxbuf, gbuf, sem):
        return pltpu.make_async_copy(table_hbm.at[idxbuf], gbuf, sem)

    def write_op(c, stage, wsem):
        return pltpu.make_async_copy(
            stage, out_hbm.at[pl.ds(base_pt + c * CHUNK, CHUNK), :], wsem)

    def lin(c, stage):
        t0 = c * (CHUNK * 2)

        def lin_body(p, _):
            xb = plsc.load_gather(tbuf, [jnp.full((16,), t0 + 2 * p,
                                                  jnp.int32)])
            yb = plsc.load_gather(tbuf, [jnp.full((16,), t0 + 2 * p + 1,
                                                  jnp.int32)])
            for k in range(4):
                stage[p, pl.ds(k * 16, 16)] = xb * w0[k] + yb * w1[k] + bb[k]
            return _

        lax.fori_loop(0, CHUNK, lin_body, None, unroll=2)

    def mv(stage, gbuf):
        def mv_body(p, _):
            for k in range(4):
                stage[p, pl.ds(HALF + k * 16, 16)] = gbuf[p, pl.ds(k * 16, 16)]
            return _

        lax.fori_loop(0, CHUNK, mv_body, None, unroll=2)

    compute_idx(jnp.int32(0), idxA)
    gather_op(idxA, gbufA, semA).start()

    def body(j, _):
        c0 = 2 * j
        c1 = 2 * j + 1
        compute_idx(c1, idxB)
        gather_op(idxB, gbufB, semB).start()

        @pl.when(j > 0)
        def _():
            write_op(c0, stageA, wsemA).wait()

        lin(c0, stageA)
        gather_op(idxA, gbufA, semA).wait()
        mv(stageA, gbufA)
        write_op(c0, stageA, wsemA).start()

        @pl.when(j < N_CHUNKS // 2 - 1)
        def _():
            compute_idx(c0 + 2, idxA)
            gather_op(idxA, gbufA, semA).start()

        @pl.when(j > 0)
        def _():
            write_op(c1, stageB, wsemB).wait()

        lin(c1, stageB)
        gather_op(idxB, gbufB, semB).wait()
        mv(stageB, gbufB)
        write_op(c1, stageB, wsemB).start()
        return _

    lax.fori_loop(0, N_CHUNKS // 2, body, None)
    write_op(jnp.int32(N_CHUNKS - 2), stageA, wsemA).wait()
    write_op(jnp.int32(N_CHUNKS - 1), stageB, wsemB).wait()


@jax.jit
def kernel(T, W1, b1, grid_table):
    mesh = plsc.VectorSubcoreMesh(core_axis_name="c", subcore_axis_name="s")
    run = pl.kernel(
        _sc_body,
        out_type=jax.ShapeDtypeStruct((N_POINTS, DIM), jnp.float32),
        mesh=mesh,
        scratch_types=[
            pltpu.VMEM((PER_W * 2,), jnp.float32),
            pltpu.VMEM((CHUNK,), jnp.int32),
            pltpu.VMEM((CHUNK,), jnp.int32),
            pltpu.VMEM((CHUNK, DIM), jnp.float32),
            pltpu.VMEM((CHUNK, DIM), jnp.float32),
            pltpu.VMEM((CHUNK, DIM), jnp.float32),
            pltpu.VMEM((CHUNK, DIM), jnp.float32),
            pltpu.VMEM((2 * HALF,), jnp.float32),
            pltpu.VMEM((HALF,), jnp.float32),
            pltpu.SemaphoreType.DMA,
            pltpu.SemaphoreType.DMA,
            pltpu.SemaphoreType.DMA,
            pltpu.SemaphoreType.DMA,
        ],
        compiler_params=pltpu.CompilerParams(
            needs_layout_passes=False, use_tc_tiling_on_sc=True),
    )
    table128 = jnp.pad(grid_table, ((0, 0), (0, DIM - HALF)))
    out = run(T.reshape(-1), W1.reshape(-1), b1, table128)
    return out.reshape(T.shape[0], T.shape[1], DIM)

# --- scband reference (transcript-rebuilt; emitter-appended) ---
"""Pipeline reference for scband-xyg-25915832664842 (READ-ONLY COPY).

The authoritative reference and input builder live on the scoring server;
editing this copy changes nothing except your own understanding.
"""

import jax, jax.numpy as jnp
import numpy as np

DIM = 128
HALF = DIM // 2
NX, NY = 1024, 1024
DX, DY = 0.0009765625, 0.0009765625
X0, Y0 = 0.0, 0.0
B, L = 1024, 200


def setup_inputs(seed: int = 0) -> dict:
    key = jax.random.key(seed)
    k1, k2, k3, k4 = jax.random.split(key, 4)
    # trajectory points: (x, y) coordinates in [0, 1)
    T = jax.random.uniform(k1, (B, L, 2), dtype=jnp.float32)
    # nn.Linear(2, dim//2): weight [half, 2] stored transposed for x @ W
    W1 = jax.random.normal(k2, (2, HALF), dtype=jnp.float32) * (1.0 / np.sqrt(2.0))
    b1 = (jax.random.uniform(k3, (HALF,), dtype=jnp.float32) - 0.5) * (2.0 / np.sqrt(2.0))
    # frozen pre-trained GridEbd table over NX x NY spatial cells
    grid_table = jax.random.normal(k4, (NX * NY, HALF), dtype=jnp.float32) * 0.02
    return {"T": T, "W1": W1, "b1": b1, "grid_table": grid_table}


def _grid_lookup(table, xy):
    # map (x, y) to grid cell index and gather embedding (GridEbd forward)
    ix = jnp.clip(jnp.floor((xy[:, 0] - X0) / DX).astype(jnp.int32), 0, NX - 1)
    iy = jnp.clip(jnp.floor((xy[:, 1] - Y0) / DY).astype(jnp.int32), 0, NY - 1)
    idx = ix * NY + iy
    return jnp.take(table, idx, axis=0)


def reference(T, W1, b1, grid_table):
    bs = T.shape[0] if T.ndim == 3 else 0
    flat = T.reshape(-1, T.shape[-1]) if bs else T
    xy = flat[:, :2]
    lin = xy @ W1 + b1                      # n1(T[:, :2])
    g = _grid_lookup(grid_table, xy)        # self.g(T, False)
    res = jnp.concatenate([lin, g], axis=-1)
    if bs:
        res = res.reshape(bs, -1, DIM)
    return res

if __name__ == "__main__":
    import jax
    _d = setup_inputs()
    print(jax.jit(kernel)(*tuple(_d.values())))

</pallas_src>

<mosaic_0001>
#map = affine_map<(d0, d1) -> (0)>
#map1 = affine_map<(d0, d1) -> (0, 0)>
module attributes {stable_mosaic.version = 14 : i64} {
  func.func @_sc_body(%arg0: i32, %arg1: i32, %arg2: memref<409600xf32, #tpu.memory_space<hbm>>, %arg3: memref<128xf32, #tpu.memory_space<hbm>>, %arg4: memref<64xf32, #tpu.memory_space<hbm>>, %arg5: memref<1048576x128xf32, #tpu.memory_space<hbm>>, %arg6: memref<204800x128xf32, #tpu.memory_space<hbm>>, %arg7: memref<12800xf32, #tpu.memory_space<vmem>>, %arg8: memref<128xi32, #tpu.memory_space<vmem>>, %arg9: memref<128xi32, #tpu.memory_space<vmem>>, %arg10: memref<128x128xf32, #tpu.memory_space<vmem>>, %arg11: memref<128x128xf32, #tpu.memory_space<vmem>>, %arg12: memref<128x128xf32, #tpu.memory_space<vmem>>, %arg13: memref<128x128xf32, #tpu.memory_space<vmem>>, %arg14: memref<128xf32, #tpu.memory_space<vmem>>, %arg15: memref<64xf32, #tpu.memory_space<vmem>>, %arg16: memref<!tpu.dma_semaphore, #tpu.memory_space<semaphore_mem>>, %arg17: memref<!tpu.dma_semaphore, #tpu.memory_space<semaphore_mem>>, %arg18: memref<!tpu.dma_semaphore, #tpu.memory_space<semaphore_mem>>, %arg19: memref<!tpu.dma_semaphore, #tpu.memory_space<semaphore_mem>>) attributes {dimension_semantics = [#tpu.dimension_semantics<core_parallel>, #tpu.dimension_semantics<subcore_parallel>], iteration_bounds = array<i64: 2, 16>, scalar_prefetch = 0 : i64, scratch_operands = 13 : i64, tpu.core_type = #tpu.core_type<sc_vector_subcore>, window_params = [{transform_indices = #map}, {transform_indices = #map}, {transform_indices = #map}, {transform_indices = #map1}, {transform_indices = #map1}]} {
    %mul3A = arith.constant 2 : i32
    %mul3A_0 = arith.muli %arg1, %mul3A : i32
    %add3A = arith.addi %mul3A_0, %arg0 : i32
    %mul3A_1 = arith.constant 6400 : i32
    %mul3A_2 = arith.muli %add3A, %mul3A_1 : i32
    "tpu.region"() ({
      %run_scoped3A = tpu.sem_alloc : memref<!tpu.dma_semaphore, #tpu.memory_space<semaphore_mem>>
      tpu.enqueue_dma source(%arg3 : memref<128xf32, #tpu.memory_space<hbm>>) target(%arg14 : memref<128xf32, #tpu.memory_space<vmem>>) target_semaphore(%run_scoped3A : memref<!tpu.dma_semaphore, #tpu.memory_space<semaphore_mem>>)
      tpu.wait_dma2 semaphore(%run_scoped3A : memref<!tpu.dma_semaphore, #tpu.memory_space<semaphore_mem>>) src(%arg3 : memref<128xf32, #tpu.memory_space<hbm>>) dst(%arg14 : memref<128xf32, #tpu.memory_space<vmem>>)
      tpu.yield
    }) : () -> ()
    "tpu.region"() ({
      %run_scoped3A = tpu.sem_alloc : memref<!tpu.dma_semaphore, #tpu.memory_space<semaphore_mem>>
      tpu.enqueue_dma source(%arg4 : memref<64xf32, #tpu.memory_space<hbm>>) target(%arg15 : memref<64xf32, #tpu.memory_space<vmem>>) target_semaphore(%run_scoped3A : memref<!tpu.dma_semaphore, #tpu.memory_space<semaphore_mem>>)
      tpu.wait_dma2 semaphore(%run_scoped3A : memref<!tpu.dma_semaphore, #tpu.memory_space<semaphore_mem>>) src(%arg4 : memref<64xf32, #tpu.memory_space<hbm>>) dst(%arg15 : memref<64xf32, #tpu.memory_space<vmem>>)
      tpu.yield
    }) : () -> ()
    %mul3A_3 = arith.constant 2 : i32
    %mul3A_4 = arith.muli %mul3A_2, %mul3A_3 : i32
    "tpu.region"() ({
      %run_scoped3A = tpu.sem_alloc : memref<!tpu.dma_semaphore, #tpu.memory_space<semaphore_mem>>
      %dma_start3A_371 = tpu.memref_slice %arg2[%mul3A_4] : memref<409600xf32, #tpu.memory_space<hbm>> -> memref<12800xf32, #tpu.memory_space<hbm>>
      %dma_start3A_372 = tpu.memref_slice %arg2[%mul3A_4] : memref<409600xf32, #tpu.memory_space<hbm>> -> memref<12800xf32, #tpu.memory_space<hbm>>
      tpu.enqueue_dma source(%dma_start3A_372 : memref<12800xf32, #tpu.memory_space<hbm>>) target(%arg7 : memref<12800xf32, #tpu.memory_space<vmem>>) target_semaphore(%run_scoped3A : memref<!tpu.dma_semaphore, #tpu.memory_space<semaphore_mem>>)
      %dma_wait3A_373 = tpu.memref_slice %arg2[%mul3A_4] : memref<409600xf32, #tpu.memory_space<hbm>> -> memref<12800xf32, #tpu.memory_space<hbm>>
      %dma_wait3A_374 = tpu.memref_slice %arg2[%mul3A_4] : memref<409600xf32, #tpu.memory_space<hbm>> -> memref<12800xf32, #tpu.memory_space<hbm>>
      tpu.wait_dma2 semaphore(%run_scoped3A : memref<!tpu.dma_semaphore, #tpu.memory_space<semaphore_mem>>) src(%dma_wait3A_374 : memref<12800xf32, #tpu.memory_space<hbm>>) dst(%arg7 : memref<12800xf32, #tpu.memory_space<vmem>>)
      tpu.yield
    }) : () -> ()
    %get3A = arith.constant 0 : index
    %get3A_5 = tpu.vector_load %arg14[%get3A] {strides = array<i32>} : memref<128xf32, #tpu.memory_space<vmem>>, vector<16xf32>,
    %get3A_6 = arith.constant 16 : index
    %get3A_7 = tpu.vector_load %arg14[%get3A_6] {strides = array<i32>} : memref<128xf32, #tpu.memory_space<vmem>>, vector<16xf32>,
    %get3A_8 = arith.constant 32 : index
    %get3A_9 = tpu.vector_load %arg14[%get3A_8] {strides = array<i32>} : memref<128xf32, #tpu.memory_space<vmem>>, vector<16xf32>,
    %get3A_10 = arith.constant 48 : index
    %get3A_11 = tpu.vector_load %arg14[%get3A_10] {strides = array<i32>} : memref<128xf32, #tpu.memory_space<vmem>>, vector<16xf32>,
    %get3A_12 = arith.constant 64 : index
    %get3A_13 = tpu.vector_load %arg14[%get3A_12] {strides = array<i32>} : memref<128xf32, #tpu.memory_space<vmem>>, vector<16xf32>,
    %get3A_14 = arith.constant 80 : index
    %get3A_15 = tpu.vector_load %arg14[%get3A_14] {strides = array<i32>} : memref<128xf32, #tpu.memory_space<vmem>>, vector<16xf32>,
    %get3A_16 = arith.constant 96 : index
    %get3A_17 = tpu.vector_load %arg14[%get3A_16] {strides = array<i32>} : memref<128xf32, #tpu.memory_space<vmem>>, vector<16xf32>,
    %get3A_18 = arith.constant 112 : index
    %get3A_19 = tpu.vector_load %arg14[%get3A_18] {strides = array<i32>} : memref<128xf32, #tpu.memory_space<vmem>>, vector<16xf32>,
    %get3A_20 = arith.constant 0 : index
    %get3A_21 = tpu.vector_load %arg15[%get3A_20] {strides = array<i32>} : memref<64xf32, #tpu.memory_space<vmem>>, vector<16xf32>,
    %get3A_22 = arith.constant 16 : index
    %get3A_23 = tpu.vector_load %arg15[%get3A_22] {strides = array<i32>} : memref<64xf32, #tpu.memory_space<vmem>>, vector<16xf32>,
    %get3A_24 = arith.constant 32 : index
    %get3A_25 = tpu.vector_load %arg15[%get3A_24] {strides = array<i32>} : memref<64xf32, #tpu.memory_space<vmem>>, vector<16xf32>,
    %get3A_26 = arith.constant 48 : index
    %get3A_27 = tpu.vector_load %arg15[%get3A_26] {strides = array<i32>} : memref<64xf32, #tpu.memory_space<vmem>>, vector<16xf32>,
    %iota3A = tpu.iota {dimensions = array<i32: 0>} : vector<16xi32>
    %mul3A_28 = arith.constant 0 : i32
    %mul3A_29 = arith.constant 256 : i32
    %mul3A_30 = arith.muli %mul3A_28, %mul3A_29 : i32
    %add3A_31 = arith.constant 0 : i32
    %add3A_32 = arith.addi %mul3A_30, %add3A_31 : i32
    %mul3A_33 = arith.constant 2 : i32
    %mul3A_34 = vector.broadcast %mul3A_33 : i32 to vector<16xi32>
    %mul3A_35 = arith.muli %mul3A_34, %iota3A : vector<16xi32>
    %add3A_36 = vector.broadcast %add3A_32 : i32 to vector<16xi32>
    %add3A_37 = arith.addi %add3A_36, %mul3A_35 : vector<16xi32>
    %gather3A = tpu.vector_load_idx %arg7[%add3A_37] : memref<12800xf32, #tpu.memory_space<vmem>>[vector<16xi32>], vector<16xf32>,
    %add3A_38 = arith.constant 1 : i32
    %add3A_39 = vector.broadcast %add3A_38 : i32 to vector<16xi32>
    %add3A_40 = arith.addi %add3A_37, %add3A_39 : vector<16xi32>
    %gather3A_41 = tpu.vector_load_idx %arg7[%add3A_40] : memref<12800xf32, #tpu.memory_space<vmem>>[vector<16xi32>], vector<16xf32>,
    %mul3A_42 = arith.constant 1.024000e+03 : f32
    %mul3A_43 = vector.broadcast %mul3A_42 : f32 to vector<16xf32>
    %mul3A_44 = arith.mulf %gather3A, %mul3A_43 : vector<16xf32>
    %convert_element_type3A = arith.fptosi %mul3A_44 : vector<16xf32> to vector<16xi32>
    %jit3A = arith.constant 0 : i32
    %jit3A_45 = arith.constant 1023 : i32
    %max3A = vector.broadcast %jit3A : i32 to vector<16xi32>
    %max3A_46 = arith.maxsi %max3A, %convert_element_type3A : vector<16xi32>
    %min3A = vector.broadcast %jit3A_45 : i32 to vector<16xi32>
    %min3A_47 = arith.minsi %min3A, %max3A_46 : vector<16xi32>
    %mul3A_48 = arith.constant 1.024000e+03 : f32
    %mul3A_49 = vector.broadcast %mul3A_48 : f32 to vector<16xf32>
    %mul3A_50 = arith.mulf %gather3A_41, %mul3A_49 : vector<16xf32>
    %convert_element_type3A_51 = arith.fptosi %mul3A_50 : vector<16xf32> to vector<16xi32>
    %jit3A_52 = arith.constant 0 : i32
    %jit3A_53 = arith.constant 1023 : i32
    %max3A_54 = vector.broadcast %jit3A_52 : i32 to vector<16xi32>
    %max3A_55 = arith.maxsi %max3A_54, %convert_element_type3A_51 : vector<16xi32>
    %min3A_56 = vector.broadcast %jit3A_53 : i32 to vector<16xi32>
    %min3A_57 = arith.minsi %min3A_56, %max3A_55 : vector<16xi32>
    %mul3A_58 = arith.constant 1024 : i32
    %mul3A_59 = vector.broadcast %mul3A_58 : i32 to vector<16xi32>
    %mul3A_60 = arith.muli %min3A_47, %mul3A_59 : vector<16xi32>
    %add3A_61 = arith.addi %mul3A_60, %min3A_57 : vector<16xi32>
    %swap3A = arith.constant 0 : index
    %swap3A_62 = tpu.vector_load %arg8[%swap3A] {strides = array<i32>} : memref<128xi32, #tpu.memory_space<vmem>>, vector<16xi32>,
    tpu.vector_store %arg8[%swap3A], %add3A_61 {strides = array<i32>} : memref<128xi32, #tpu.memory_space<vmem>>, vector<16xi32>,
    %mul3A_63 = arith.constant 0 : i32
    %mul3A_64 = arith.constant 256 : i32
    %mul3A_65 = arith.muli %mul3A_63, %mul3A_64 : i32
    %add3A_66 = arith.constant 32 : i32
    %add3A_67 = arith.addi %mul3A_65, %add3A_66 : i32
    %mul3A_68 = arith.constant 2 : i32
    %mul3A_69 = vector.broadcast %mul3A_68 : i32 to vector<16xi32>
    %mul3A_70 = arith.muli %mul3A_69, %iota3A : vector<16xi32>
    %add3A_71 = vector.broadcast %add3A_67 : i32 to vector<16xi32>
    %add3A_72 = arith.addi %add3A_71, %mul3A_70 : vector<16xi32>
    %gather3A_73 = tpu.vector_load_idx %arg7[%add3A_72] : memref<12800xf32, #tpu.memory_space<vmem>>[vector<16xi32>], vector<16xf32>,
    %add3A_74 = arith.constant 1 : i32
    %add3A_75 = vector.broadcast %add3A_74 : i32 to vector<16xi32>
    %add3A_76 = arith.addi %add3A_72, %add3A_75 : vector<16xi32>
    %gather3A_77 = tpu.vector_load_idx %arg7[%add3A_76] : memref<12800xf32, #tpu.memory_space<vmem>>[vector<16xi32>], vector<16xf32>,
    %mul3A_78 = arith.constant 1.024000e+03 : f32
    %mul3A_79 = vector.broadcast %mul3A_78 : f32 to vector<16xf32>
    %mul3A_80 = arith.mulf %gather3A_73, %mul3A_79 : vector<16xf32>
    %convert_element_type3A_81 = arith.fptosi %mul3A_80 : vector<16xf32> to vector<16xi32>
    %jit3A_82 = arith.constant 0 : i32
    %jit3A_83 = arith.constant 1023 : i32
    %max3A_84 = vector.broadcast %jit3A_82 : i32 to vector<16xi32>
    %max3A_85 = arith.maxsi %max3A_84, %convert_element_type3A_81 : vector<16xi32>
    %min3A_86 = vector.broadcast %jit3A_83 : i32 to vector<16xi32>
    %min3A_87 = arith.minsi %min3A_86, %max3A_85 : vector<16xi32>
    %mul3A_88 = arith.constant 1.024000e+03 : f32
    %mul3A_89 = vector.broadcast %mul3A_88 : f32 to vector<16xf32>
    %mul3A_90 = arith.mulf %gather3A_77, %mul3A_89 : vector<16xf32>
    %convert_element_type3A_91 = arith.fptosi %mul3A_90 : vector<16xf32> to vector<16xi32>
    %jit3A_92 = arith.constant 0 : i32
    %jit3A_93 = arith.constant 1023 : i32
    %max3A_94 = vector.broadcast %jit3A_92 : i32 to vector<16xi32>
    %max3A_95 = arith.maxsi %max3A_94, %convert_element_type3A_91 : vector<16xi32>
    %min3A_96 = vector.broadcast %jit3A_93 : i32 to vector<16xi32>
    %min3A_97 = arith.minsi %min3A_96, %max3A_95 : vector<16xi32>
    %mul3A_98 = arith.constant 1024 : i32
    %mul3A_99 = vector.broadcast %mul3A_98 : i32 to vector<16xi32>
    %mul3A_100 = arith.muli %min3A_87, %mul3A_99 : vector<16xi32>
    %add3A_101 = arith.addi %mul3A_100, %min3A_97 : vector<16xi32>
    %swap3A_102 = arith.constant 16 : index
    %swap3A_103 = tpu.vector_load %arg8[%swap3A_102] {strides = array<i32>} : memref<128xi32, #tpu.memory_space<vmem>>, vector<16xi32>,
    tpu.vector_store %arg8[%swap3A_102], %add3A_101 {strides = array<i32>} : memref<128xi32, #tpu.memory_space<vmem>>, vector<16xi32>,
    %mul3A_104 = arith.constant 0 : i32
    %mul3A_105 = arith.constant 256 : i32
    %mul3A_106 = arith.muli %mul3A_104, %mul3A_105 : i32
    %add3A_107 = arith.constant 64 : i32
    %add3A_108 = arith.addi %mul3A_106, %add3A_107 : i32
    %mul3A_109 = arith.constant 2 : i32
    %mul3A_110 = vector.broadcast %mul3A_109 : i32 to vector<16xi32>
    %mul3A_111 = arith.muli %mul3A_110, %iota3A : vector<16xi32>
    %add3A_112 = vector.broadcast %add3A_108 : i32 to vector<16xi32>
    %add3A_113 = arith.addi %add3A_112, %mul3A_111 : vector<16xi32>
    %gather3A_114 = tpu.vector_load_idx %arg7[%add3A_113] : memref<12800xf32, #tpu.memory_space<vmem>>[vector<16xi32>], vector<16xf32>,
    %add3A_115 = arith.constant 1 : i32
    %add3A_116 = vector.broadcast %add3A_115 : i32 to vector<16xi32>
    %add3A_117 = arith.addi %add3A_113, %add3A_116 : vector<16xi32>
    %gather3A_118 = tpu.vector_load_idx %arg7[%add3A_117] : memref<12800xf32, #tpu.memory_space<vmem>>[vector<16xi32>], vector<16xf32>,
    %mul3A_119 = arith.constant 1.024000e+03 : f32
    %mul3A_120 = vector.broadcast %mul3A_119 : f32 to vector<16xf32>
    %mul3A_121 = arith.mulf %gather3A_114, %mul3A_120 : vector<16xf32>
    %convert_element_type3A_122 = arith.fptosi %mul3A_121 : vector<16xf32> to vector<16xi32>
    %jit3A_123 = arith.constant 0 : i32
    %jit3A_124 = arith.constant 1023 : i32
    %max3A_125 = vector.broadcast %jit3A_123 : i32 to vector<16xi32>
    %max3A_126 = arith.maxsi %max3A_125, %convert_element_type3A_122 : vector<16xi32>
    %min3A_127 = vector.broadcast %jit3A_124 : i32 to vector<16xi32>
    %min3A_128 = arith.minsi %min3A_127, %max3A_126 : vector<16xi32>
    %mul3A_129 = arith.constant 1.024000e+03 : f32
    %mul3A_130 = vector.broadcast %mul3A_129 : f32 to vector<16xf32>
    %mul3A_131 = arith.mulf %gather3A_118, %mul3A_130 : vector<16xf32>
    %convert_element_type3A_132 = arith.fptosi %mul3A_131 : vector<16xf32> to vector<16xi32>
    %jit3A_133 = arith.constant 0 : i32
    %jit3A_134 = arith.constant 1023 : i32
    %max3A_135 = vector.broadcast %jit3A_133 : i32 to vector<16xi32>
    %max3A_136 = arith.maxsi %max3A_135, %convert_element_type3A_132 : vector<16xi32>
    %min3A_137 = vector.broadcast %jit3A_134 : i32 to vector<16xi32>
    %min3A_138 = arith.minsi %min3A_137, %max3A_136 : vector<16xi32>
    %mul3A_139 = arith.constant 1024 : i32
    %mul3A_140 = vector.broadcast %mul3A_139 : i32 to vector<16xi32>
    %mul3A_141 = arith.muli %min3A_128, %mul3A_140 : vector<16xi32>
    %add3A_142 = arith.addi %mul3A_141, %min3A_138 : vector<16xi32>
    %swap3A_143 = arith.constant 32 : index
    %swap3A_144 = tpu.vector_load %arg8[%swap3A_143] {strides = array<i32>} : memref<128xi32, #tpu.memory_space<vmem>>, vector<16xi32>,
    tpu.vector_store %arg8[%swap3A_143], %add3A_142 {strides = array<i32>} : memref<128xi32, #tpu.memory_space<vmem>>, vector<16xi32>,
    %mul3A_145 = arith.constant 0 : i32
    %mul3A_146 = arith.constant 256 : i32
    %mul3A_147 = arith.muli %mul3A_145, %mul3A_146 : i32
    %add3A_148 = arith.constant 96 : i32
    %add3A_149 = arith.addi %mul3A_147, %add3A_148 : i32
    %mul3A_150 = arith.constant 2 : i32
    %mul3A_151 = vector.broadcast %mul3A_150 : i32 to vector<16xi32>
    %mul3A_152 = arith.muli %mul3A_151, %iota3A : vector<16xi32>
    %add3A_153 = vector.broadcast %add3A_149 : i32 to vector<16xi32>
    %add3A_154 = arith.addi %add3A_153, %mul3A_152 : vector<16xi32>
    %gather3A_155 = tpu.vector_load_idx %arg7[%add3A_154] : memref<12800xf32, #tpu.memory_space<vmem>>[vector<16xi32>], vector<16xf32>,
    %add3A_156 = arith.constant 1 : i32
    %add3A_157 = vector.broadcast %add3A_156 : i32 to vector<16xi32>
    %add3A_158 = arith.addi %add3A_154, %add3A_157 : vector<16xi32>
    %gather3A_159 = tpu.vector_load_idx %arg7[%add3A_158] : memref<12800xf32, #tpu.memory_space<vmem>>[vector<16xi32>], vector<16xf32>,
    %mul3A_160 = arith.constant 1.024000e+03 : f32
    %mul3A_161 = vector.broadcast %mul3A_160 : f32 to vector<16xf32>
    %mul3A_162 = arith.mulf %gather3A_155, %mul3A_161 : vector<16xf32>
    %convert_element_type3A_163 = arith.fptosi %mul3A_162 : vector<16xf32> to vector<16xi32>
    %jit3A_164 = arith.constant 0 : i32
    %jit3A_165 = arith.constant 1023 : i32
    %max3A_166 = vector.broadcast %jit3A_164 : i32 to vector<16xi32>
    %max3A_167 = arith.maxsi %max3A_166, %convert_element_type3A_163 : vector<16xi32>
    %min3A_168 = vector.broadcast %jit3A_165 : i32 to vector<16xi32>
    %min3A_169 = arith.minsi %min3A_168, %max3A_167 : vector<16xi32>
    %mul3A_170 = arith.constant 1.024000e+03 : f32
    %mul3A_171 = vector.broadcast %mul3A_170 : f32 to vector<16xf32>
    %mul3A_172 = arith.mulf %gather3A_159, %mul3A_171 : vector<16xf32>
    %convert_element_type3A_173 = arith.fptosi %mul3A_172 : vector<16xf32> to vector<16xi32>
    %jit3A_174 = arith.constant 0 : i32
    %jit3A_175 = arith.constant 1023 : i32
    %max3A_176 = vector.broadcast %jit3A_174 : i32 to vector<16xi32>
    %max3A_177 = arith.maxsi %max3A_176, %convert_element_type3A_173 : vector<16xi32>
    %min3A_178 = vector.broadcast %jit3A_175 : i32 to vector<16xi32>
    %min3A_179 = arith.minsi %min3A_178, %max3A_177 : vector<16xi32>
    %mul3A_180 = arith.constant 1024 : i32
    %mul3A_181 = vector.broadcast %mul3A_180 : i32 to vector<16xi32>
    %mul3A_182 = arith.muli %min3A_169, %mul3A_181 : vector<16xi32>
    %add3A_183 = arith.addi %mul3A_182, %min3A_179 : vector<16xi32>
    %swap3A_184 = arith.constant 48 : index
    %swap3A_185 = tpu.vector_load %arg8[%swap3A_184] {strides = array<i32>} : memref<128xi32, #tpu.memory_space<vmem>>, vector<16xi32>,
    tpu.vector_store %arg8[%swap3A_184], %add3A_183 {strides = array<i32>} : memref<128xi32, #tpu.memory_space<vmem>>, vector<16xi32>,
    %mul3A_186 = arith.constant 0 : i32
    %mul3A_187 = arith.constant 256 : i32
    %mul3A_188 = arith.muli %mul3A_186, %mul3A_187 : i32
    %add3A_189 = arith.constant 128 : i32
    %add3A_190 = arith.addi %mul3A_188, %add3A_189 : i32
    %mul3A_191 = arith.constant 2 : i32
    %mul3A_192 = vector.broadcast %mul3A_191 : i32 to vector<16xi32>
    %mul3A_193 = arith.muli %mul3A_192, %iota3A : vector<16xi32>
    %add3A_194 = vector.broadcast %add3A_190 : i32 to vector<16xi32>
    %add3A_195 = arith.addi %add3A_194, %mul3A_193 : vector<16xi32>
    %gather3A_196 = tpu.vector_load_idx %arg7[%add3A_195] : memref<12800xf32, #tpu.memory_space<vmem>>[vector<16xi32>], vector<16xf32>,
    %add3A_197 = arith.constant 1 : i32
    %add3A_198 = vector.broadcast %add3A_197 : i32 to vector<16xi32>
    %add3A_199 = arith.addi %add3A_195, %add3A_198 : vector<16xi32>
    %gather3A_200 = tpu.vector_load_idx %arg7[%add3A_199] : memref<12800xf32, #tpu.memory_space<vmem>>[vector<16xi32>], vector<16xf32>,
    %mul3A_201 = arith.constant 1.024000e+03 : f32
    %mul3A_202 = vector.broadcast %mul3A_201 : f32 to vector<16xf32>
    %mul3A_203 = arith.mulf %gather3A_196, %mul3A_202 : vector<16xf32>
    %convert_element_type3A_204 = arith.fptosi %mul3A_203 : vector<16xf32> to vector<16xi32>
    %jit3A_205 = arith.constant 0 : i32
    %jit3A_206 = arith.constant 1023 : i32
    %max3A_207 = vector.broadcast %jit3A_205 : i32 to vector<16xi32>
    %max3A_208 = arith.maxsi %max3A_207, %convert_element_type3A_204 : vector<16xi32>
    %min3A_209 = vector.broadcast %jit3A_206 : i32 to vector<16xi32>
    %min3A_210 = arith.minsi %min3A_209, %max3A_208 : vector<16xi32>
    %mul3A_211 = arith.constant 1.024000e+03 : f32
    %mul3A_212 = vector.broadcast %mul3A_211 : f32 to vector<16xf32>
    %mul3A_213 = arith.mulf %gather3A_200, %mul3A_212 : vector<16xf32>
    %convert_element_type3A_214 = arith.fptosi %mul3A_213 : vector<16xf32> to vector<16xi32>
    %jit3A_215 = arith.constant 0 : i32
    %jit3A_216 = arith.constant 1023 : i32
    %max3A_217 = vector.broadcast %jit3A_215 : i32 to vector<16xi32>
    %max3A_218 = arith.maxsi %max3A_217, %convert_element_type3A_214 : vector<16xi32>
    %min3A_219 = vector.broadcast %jit3A_216 : i32 to vector<16xi32>
    %min3A_220 = arith.minsi %min3A_219, %max3A_218 : vector<16xi32>
    %mul3A_221 = arith.constant 1024 : i32
    %mul3A_222 = vector.broadcast %mul3A_221 : i32 to vector<16xi32>
    %mul3A_223 = arith.muli %min3A_210, %mul3A_222 : vector<16xi32>
    %add3A_224 = arith.addi %mul3A_223, %min3A_220 : vector<16xi32>
    %swap3A_225 = arith.constant 64 : index
    %swap3A_226 = tpu.vector_load %arg8[%swap3A_225] {strides = array<i32>} : memref<128xi32, #tpu.memory_space<vmem>>, vector<16xi32>,
    tpu.vector_store %arg8[%swap3A_225], %add3A_224 {strides = array<i32>} : memref<128xi32, #tpu.memory_space<vmem>>, vector<16xi32>,
    %mul3A_227 = arith.constant 0 : i32
    %mul3A_228 = arith.constant 256 : i32
    %mul3A_229 = arith.muli %mul3A_227, %mul3A_228 : i32
    %add3A_230 = arith.constant 160 : i32
    %add3A_231 = arith.addi %mul3A_229, %add3A_230 : i32
    %mul3A_232 = arith.constant 2 : i32
    %mul3A_233 = vector.broadcast %mul3A_232 : i32 to vector<16xi32>
    %mul3A_234 = arith.muli %mul3A_233, %iota3A : vector<16xi32>
    %add3A_235 = vector.broadcast %add3A_231 : i32 to vector<16xi32>
    %add3A_236 = arith.addi %add3A_235, %mul3A_234 : vector<16xi32>
    %gather3A_237 = tpu.vector_load_idx %arg7[%add3A_236] : memref<12800xf32, #tpu.memory_space<vmem>>[vector<16xi32>], vector<16xf32>,
    %add3A_238 = arith.constant 1 : i32
    %add3A_239 = vector.broadcast %add3A_238 : i32 to vector<16xi32>
    %add3A_240 = arith.addi %add3A_236, %add3A_239 : vector<16xi32>
    %gather3A_241 = tpu.vector_load_idx %arg7[%add3A_240] : memref<12800xf32, #tpu.memory_space<vmem>>[vector<16xi32>], vector<16xf32>,
    %mul3A_242 = arith.constant 1.024000e+03 : f32
    %mul3A_243 = vector.broadcast %mul3A_242 : f32 to vector<16xf32>
    %mul3A_244 = arith.mulf %gather3A_237, %mul3A_243 : vector<16xf32>
    %convert_element_type3A_245 = arith.fptosi %mul3A_244 : vector<16xf32> to vector<16xi32>
    %jit3A_246 = arith.constant 0 : i32
    %jit3A_247 = arith.constant 1023 : i32
    %max3A_248 = vector.broadcast %jit3A_246 : i32 to vector<16xi32>
    %max3A_249 = arith.maxsi %max3A_248, %convert_element_type3A_245 : vector<16xi32>
    %min3A_250 = vector.broadcast %jit3A_247 : i32 to vector<16xi32>
    %min3A_251 = arith.minsi %min3A_250, %max3A_249 : vector<16xi32>
    %mul3A_252 = arith.constant 1.024000e+03 : f32
    %mul3A_253 = vector.broadcast %mul3A_252 : f32 to vector<16xf32>
    %mul3A_254 = arith.mulf %gather3A_241, %mul3A_253 : vector<16xf32>
    %convert_element_type3A_255 = arith.fptosi %mul3A_254 : vector<16xf32> to vector<16xi32>
    %jit3A_256 = arith.constant 0 : i32
    %jit3A_257 = arith.constant 1023 : i32
    %max3A_258 = vector.broadcast %jit3A_256 : i32 to vector<16xi32>
    %max3A_259 = arith.maxsi %max3A_258, %convert_element_type3A_255 : vector<16xi32>
    %min3A_260 = vector.broadcast %jit3A_257 : i32 to vector<16xi32>
    %min3A_261 = arith.minsi %min3A_260, %max3A_259 : vector<16xi32>
    %mul3A_262 = arith.constant 1024 : i32
    %mul3A_263 = vector.broadcast %mul3A_262 : i32 to vector<16xi32>
    %mul3A_264 = arith.muli %min3A_251, %mul3A_263 : vector<16xi32>
    %add3A_265 = arith.addi %mul3A_264, %min3A_261 : vector<16xi32>
    %swap3A_266 = arith.constant 80 : index
    %swap3A_267 = tpu.vector_load %arg8[%swap3A_266] {strides = array<i32>} : memref<128xi32, #tpu.memory_space<vmem>>, vector<16xi32>,
    tpu.vector_store %arg8[%swap3A_266], %add3A_265 {strides = array<i32>} : memref<128xi32, #tpu.memory_space<vmem>>, vector<16xi32>,
    %mul3A_268 = arith.constant 0 : i32
    %mul3A_269 = arith.constant 256 : i32
    %mul3A_270 = arith.muli %mul3A_268, %mul3A_269 : i32
    %add3A_271 = arith.constant 192 : i32
    %add3A_272 = arith.addi %mul3A_270, %add3A_271 : i32
    %mul3A_273 = arith.constant 2 : i32
    %mul3A_274 = vector.broadcast %mul3A_273 : i32 to vector<16xi32>
    %mul3A_275 = arith.muli %mul3A_274, %iota3A : vector<16xi32>
    %add3A_276 = vector.broadcast %add3A_272 : i32 to vector<16xi32>
    %add3A_277 = arith.addi %add3A_276, %mul3A_275 : vector<16xi32>
    %gather3A_278 = tpu.vector_load_idx %arg7[%add3A_277] : memref<12800xf32, #tpu.memory_space<vmem>>[vector<16xi32>], vector<16xf32>,
    %add3A_279 = arith.constant 1 : i32
    %add3A_280 = vector.broadcast %add3A_279 : i32 to vector<16xi32>
    %add3A_281 = arith.addi %add3A_277, %add3A_280 : vector<16xi32>
    %gather3A_282 = tpu.vector_load_idx %arg7[%add3A_281] : memref<12800xf32, #tpu.memory_space<vmem>>[vector<16xi32>], vector<16xf32>,
    %mul3A_283 = arith.constant 1.024000e+03 : f32
    %mul3A_284 = vector.broadcast %mul3A_283 : f32 to vector<16xf32>
    %mul3A_285 = arith.mulf %gather3A_278, %mul3A_284 : vector<16xf32>
    %convert_element_type3A_286 = arith.fptosi %mul3A_285 : vector<16xf32> to vector<16xi32>
    %jit3A_287 = arith.constant 0 : i32
    %jit3A_288 = arith.constant 1023 : i32
    %max3A_289 = vector.broadcast %jit3A_287 : i32 to vector<16xi32>
    %max3A_290 = arith.maxsi %max3A_289, %convert_element_type3A_286 : vector<16xi32>
    %min3A_291 = vector.broadcast %jit3A_288 : i32 to vector<16xi32>
    %min3A_292 = arith.minsi %min3A_291, %max3A_290 : vector<16xi32>
    %mul3A_293 = arith.constant 1.024000e+03 : f32
    %mul3A_294 = vector.broadcast %mul3A_293 : f32 to vector<16xf32>
    %mul3A_295 = arith.mulf %gather3A_282, %mul3A_294 : vector<16xf32>
    %convert_element_type3A_296 = arith.fptosi %mul3A_295 : vector<16xf32> to vector<16xi32>
    %jit3A_297 = arith.constant 0 : i32
    %jit3A_298 = arith.constant 1023 : i32
    %max3A_299 = vector.broadcast %jit3A_297 : i32 to vector<16xi32>
    %max3A_300 = arith.maxsi %max3A_299, %convert_element_type3A_296 : vector<16xi32>
    %min3A_301 = vector.broadcast %jit3A_298 : i32 to vector<16xi32>
    %min3A_302 = arith.minsi %min3A_301, %max3A_300 : vector<16xi32>
    %mul3A_303 = arith.constant 1024 : i32
    %mul3A_304 = vector.broadcast %mul3A_303 : i32 to vector<16xi32>
    %mul3A_305 = arith.muli %min3A_292, %mul3A_304 : vector<16xi32>
    %add3A_306 = arith.addi %mul3A_305, %min3A_302 : vector<16xi32>
    %swap3A_307 = arith.constant 96 : index
    %swap3A_308 = tpu.vector_load %arg8[%swap3A_307] {strides = array<i32>} : memref<128xi32, #tpu.memory_space<vmem>>, vector<16xi32>,
    tpu.vector_store %arg8[%swap3A_307], %add3A_306 {strides = array<i32>} : memref<128xi32, #tpu.memory_space<vmem>>, vector<16xi32>,
    %mul3A_309 = arith.constant 0 : i32
    %mul3A_310 = arith.constant 256 : i32
    %mul3A_311 = arith.muli %mul3A_309, %mul3A_310 : i32
    %add3A_312 = arith.constant 224 : i32
    %add3A_313 = arith.addi %mul3A_311, %add3A_312 : i32
    %mul3A_314 = arith.constant 2 : i32
    %mul3A_315 = vector.broadcast %mul3A_314 : i32 to vector<16xi32>
    %mul3A_316 = arith.muli %mul3A_315, %iota3A : vector<16xi32>
    %add3A_317 = vector.broadcast %add3A_313 : i32 to vector<16xi32>
    %add3A_318 = arith.addi %add3A_317, %mul3A_316 : vector<16xi32>
    %gather3A_319 = tpu.vector_load_idx %arg7[%add3A_318] : memref<12800xf32, #tpu.memory_space<vmem>>[vector<16xi32>], vector<16xf32>,
    %add3A_320 = arith.constant 1 : i32
    %add3A_321 = vector.broadcast %add3A_320 : i32 to vector<16xi32>
    %add3A_322 = arith.addi %add3A_318, %add3A_321 : vector<16xi32>
    %gather3A_323 = tpu.vector_load_idx %arg7[%add3A_322] : memref<12800xf32, #tpu.memory_space<vmem>>[vector<16xi32>], vector<16xf32>,
    %mul3A_324 = arith.constant 1.024000e+03 : f32
    %mul3A_325 = vector.broadcast %mul3A_324 : f32 to vector<16xf32>
    %mul3A_326 = arith.mulf %gather3A_319, %mul3A_325 : vector<16xf32>
    %convert_element_type3A_327 = arith.fptosi %mul3A_326 : vector<16xf32> to vector<16xi32>
    %jit3A_328 = arith.constant 0 : i32
    %jit3A_329 = arith.constant 1023 : i32
    %max3A_330 = vector.broadcast %jit3A_328 : i32 to vector<16xi32>
    %max3A_331 = arith.maxsi %max3A_330, %convert_element_type3A_327 : vector<16xi32>
    %min3A_332 = vector.broadcast %jit3A_329 : i32 to vector<16xi32>
    %min3A_333 = arith.minsi %min3A_332, %max3A_331 : vector<16xi32>
    %mul3A_334 = arith.constant 1.024000e+03 : f32
    %mul3A_335 = vector.broadcast %mul3A_334 : f32 to vector<16xf32>
    %mul3A_336 = arith.mulf %gather3A_323, %mul3A_335 : vector<16xf32>
    %convert_element_type3A_337 = arith.fptosi %mul3A_336 : vector<16xf32> to vector<16xi32>
    %jit3A_338 = arith.constant 0 : i32
    %jit3A_339 = arith.constant 1023 : i32
    %max3A_340 = vector.broadcast %jit3A_338 : i32 to vector<16xi32>
    %max3A_341 = arith.maxsi %max3A_340, %convert_element_type3A_337 : vector<16xi32>
    %min3A_342 = vector.broadcast %jit3A_339 : i32 to vector<16xi32>
    %min3A_343 = arith.minsi %min3A_342, %max3A_341 : vector<16xi32>
    %mul3A_344 = arith.constant 1024 : i32
    %mul3A_345 = vector.broadcast %mul3A_344 : i32 to vector<16xi32>
    %mul3A_346 = arith.muli %min3A_333, %mul3A_345 : vector<16xi32>
    %add3A_347 = arith.addi %mul3A_346, %min3A_343 : vector<16xi32>
    %swap3A_348 = arith.constant 112 : index
    %swap3A_349 = tpu.vector_load %arg8[%swap3A_348] {strides = array<i32>} : memref<128xi32, #tpu.memory_space<vmem>>, vector<16xi32>,
    tpu.vector_store %arg8[%swap3A_348], %add3A_347 {strides = array<i32>} : memref<128xi32, #tpu.memory_space<vmem>>, vector<16xi32>,
    %dma_start3A = arith.constant 0 : i32
    %dma_start3A_350 = arith.constant 0 : i32
    %dma_start3A_351 = tpu.memref_slice %arg5[%dma_start3A, %dma_start3A_350] : memref<1048576x128xf32, #tpu.memory_space<hbm>> -> memref<1048576x128xf32, #tpu.memory_space<hbm>>
    tpu.enqueue_indirect_dma source(%dma_start3A_351 : memref<1048576x128xf32, #tpu.memory_space<hbm>>) target(%arg10 : memref<128x128xf32, #tpu.memory_space<vmem>>) offsets(%arg8 : memref<128xi32, #tpu.memory_space<vmem>>) semaphore(%arg16 : memref<!tpu.dma_semaphore, #tpu.memory_space<semaphore_mem>>)
    %scan3A = arith.constant 0 : i32
    %scan3A_352 = arith.constant 25 : i32
    %scan3A_353 = arith.addi %scan3A, %scan3A_352 : i32
    %scan3A_354 = arith.constant 1 : i32
    scf.for %scan3A_371 = %scan3A to %scan3A_353 step %scan3A_354  : i32 {
      %mul3A_372 = arith.constant 2 : i32
      %mul3A_373 = arith.muli %mul3A_372, %scan3A_371 : i32
      %mul3A_374 = arith.constant 2 : i32
      %mul3A_375 = arith.muli %mul3A_374, %scan3A_371 : i32
      %add3A_376 = arith.constant 1 : i32
      %add3A_377 = arith.addi %mul3A_375, %add3A_376 : i32
      %mul3A_378 = arith.constant 256 : i32
      %mul3A_379 = arith.muli %add3A_377, %mul3A_378 : i32
      %add3A_380 = arith.constant 0 : i32
      %add3A_381 = arith.addi %mul3A_379, %add3A_380 : i32
      %mul3A_382 = arith.constant 2 : i32
      %mul3A_383 = vector.broadcast %mul3A_382 : i32 to vector<16xi32>
      %mul3A_384 = arith.muli %mul3A_383, %iota3A : vector<16xi32>
      %add3A_385 = vector.broadcast %add3A_381 : i32 to vector<16xi32>
      %add3A_386 = arith.addi %add3A_385, %mul3A_384 : vector<16xi32>
      %gather3A_387 = tpu.vector_load_idx %arg7[%add3A_386] : memref<12800xf32, #tpu.memory_space<vmem>>[vector<16xi32>], vector<16xf32>,
      %add3A_388 = arith.constant 1 : i32
      %add3A_389 = vector.broadcast %add3A_388 : i32 to vector<16xi32>
      %add3A_390 = arith.addi %add3A_386, %add3A_389 : vector<16xi32>
      %gather3A_391 = tpu.vector_load_idx %arg7[%add3A_390] : memref<12800xf32, #tpu.memory_space<vmem>>[vector<16xi32>], vector<16xf32>,
      %mul3A_392 = arith.constant 1.024000e+03 : f32
      %mul3A_393 = vector.broadcast %mul3A_392 : f32 to vector<16xf32>
      %mul3A_394 = arith.mulf %gather3A_387, %mul3A_393 : vector<16xf32>
      %convert_element_type3A_395 = arith.fptosi %mul3A_394 : vector<16xf32> to vector<16xi32>
      %jit3A_396 = arith.constant 0 : i32
      %jit3A_397 = arith.constant 1023 : i32
      %max3A_398 = vector.broadcast %jit3A_396 : i32 to vector<16xi32>
      %max3A_399 = arith.maxsi %max3A_398, %convert_element_type3A_395 : vector<16xi32>
      %min3A_400 = vector.broadcast %jit3A_397 : i32 to vector<16xi32>
      %min3A_401 = arith.minsi %min3A_400, %max3A_399 : vector<16xi32>
      %mul3A_402 = arith.constant 1.024000e+03 : f32
      %mul3A_403 = vector.broadcast %mul3A_402 : f32 to vector<16xf32>
      %mul3A_404 = arith.mulf %gather3A_391, %mul3A_403 : vector<16xf32>
      %convert_element_type3A_405 = arith.fptosi %mul3A_404 : vector<16xf32> to vector<16xi32>
      %jit3A_406 = arith.constant 0 : i32
      %jit3A_407 = arith.constant 1023 : i32
      %max3A_408 = vector.broadcast %jit3A_406 : i32 to vector<16xi32>
      %max3A_409 = arith.maxsi %max3A_408, %convert_element_type3A_405 : vector<16xi32>
      %min3A_410 = vector.broadcast %jit3A_407 : i32 to vector<16xi32>
      %min3A_411 = arith.minsi %min3A_410, %max3A_409 : vector<16xi32>
      %mul3A_412 = arith.constant 1024 : i32
      %mul3A_413 = vector.broadcast %mul3A_412 : i32 to vector<16xi32>
      %mul3A_414 = arith.muli %min3A_401, %mul3A_413 : vector<16xi32>
      %add3A_415 = arith.addi %mul3A_414, %min3A_411 : vector<16xi32>
      %swap3A_416 = arith.constant 0 : index
      %swap3A_417 = tpu.vector_load %arg9[%swap3A_416] {strides = array<i32>} : memref<128xi32, #tpu.memory_space<vmem>>, vector<16xi32>,
      tpu.vector_store %arg9[%swap3A_416], %add3A_415 {strides = array<i32>} : memref<128xi32, #tpu.memory_space<vmem>>, vector<16xi32>,
      %mul3A_418 = arith.constant 256 : i32
      %mul3A_419 = arith.muli %add3A_377, %mul3A_418 : i32
      %add3A_420 = arith.constant 32 : i32
      %add3A_421 = arith.addi %mul3A_419, %add3A_420 : i32
      %mul3A_422 = arith.constant 2 : i32
      %mul3A_423 = vector.broadcast %mul3A_422 : i32 to vector<16xi32>
      %mul3A_424 = arith.muli %mul3A_423, %iota3A : vector<16xi32>
      %add3A_425 = vector.broadcast %add3A_421 : i32 to vector<16xi32>
      %add3A_426 = arith.addi %add3A_425, %mul3A_424 : vector<16xi32>
      %gather3A_427 = tpu.vector_load_idx %arg7[%add3A_426] : memref<12800xf32, #tpu.memory_space<vmem>>[vector<16xi32>], vector<16xf32>,
      %add3A_428 = arith.constant 1 : i32
      %add3A_429 = vector.broadcast %add3A_428 : i32 to vector<16xi32>
      %add3A_430 = arith.addi %add3A_426, %add3A_429 : vector<16xi32>
      %gather3A_431 = tpu.vector_load_idx %arg7[%add3A_430] : memref<12800xf32, #tpu.memory_space<vmem>>[vector<16xi32>], vector<16xf32>,
      %mul3A_432 = arith.constant 1.024000e+03 : f32
      %mul3A_433 = vector.broadcast %mul3A_432 : f32 to vector<16xf32>
      %mul3A_434 = arith.mulf %gather3A_427, %mul3A_433 : vector<16xf32>
      %convert_element_type3A_435 = arith.fptosi %mul3A_434 : vector<16xf32> to vector<16xi32>
      %jit3A_436 = arith.constant 0 : i32
      %jit3A_437 = arith.constant 1023 : i32
      %max3A_438 = vector.broadcast %jit3A_436 : i32 to vector<16xi32>
      %max3A_439 = arith.maxsi %max3A_438, %convert_element_type3A_435 : vector<16xi32>
      %min3A_440 = vector.broadcast %jit3A_437 : i32 to vector<16xi32>
      %min3A_441 = arith.minsi %min3A_440, %max3A_439 : vector<16xi32>
      %mul3A_442 = arith.constant 1.024000e+03 : f32
      %mul3A_443 = vector.broadcast %mul3A_442 : f32 to vector<16xf32>
      %mul3A_444 = arith.mulf %gather3A_431, %mul3A_443 : vector<16xf32>
      %convert_element_type3A_445 = arith.fptosi %mul3A_444 : vector<16xf32> to vector<16xi32>
      %jit3A_446 = arith.constant 0 : i32
      %jit3A_447 = arith.constant 1023 : i32
      %max3A_448 = vector.broadcast %jit3A_446 : i32 to vector<16xi32>
      %max3A_449 = arith.maxsi %max3A_448, %convert_element_type3A_445 : vector<16xi32>
      %min3A_450 = vector.broadcast %jit3A_447 : i32 to vector<16xi32>
      %min3A_451 = arith.minsi %min3A_450, %max3A_449 : vector<16xi32>
      %mul3A_452 = arith.constant 1024 : i32
      %mul3A_453 = vector.broadcast %mul3A_452 : i32 to vector<16xi32>
      %mul3A_454 = arith.muli %min3A_441, %mul3A_453 : vector<16xi32>
      %add3A_455 = arith.addi %mul3A_454, %min3A_451 : vector<16xi32>
      %swap3A_456 = arith.constant 16 : index
      %swap3A_457 = tpu.vector_load %arg9[%swap3A_456] {strides = array<i32>} : memref<128xi32, #tpu.memory_space<vmem>>, vector<16xi32>,
      tpu.vector_store %arg9[%swap3A_456], %add3A_455 {strides = array<i32>} : memref<128xi32, #tpu.memory_space<vmem>>, vector<16xi32>,
      %mul3A_458 = arith.constant 256 : i32
      %mul3A_459 = arith.muli %add3A_377, %mul3A_458 : i32
      %add3A_460 = arith.constant 64 : i32
      %add3A_461 = arith.addi %mul3A_459, %add3A_460 : i32
      %mul3A_462 = arith.constant 2 : i32
      %mul3A_463 = vector.broadcast %mul3A_462 : i32 to vector<16xi32>
      %mul3A_464 = arith.muli %mul3A_463, %iota3A : vector<16xi32>
      %add3A_465 = vector.broadcast %add3A_461 : i32 to vector<16xi32>
      %add3A_466 = arith.addi %add3A_465, %mul3A_464 : vector<16xi32>
      %gather3A_467 = tpu.vector_load_idx %arg7[%add3A_466] : memref<12800xf32, #tpu.memory_space<vmem>>[vector<16xi32>], vector<16xf32>,
      %add3A_468 = arith.constant 1 : i32
      %add3A_469 = vector.broadcast %add3A_468 : i32 to vector<16xi32>
      %add3A_470 = arith.addi %add3A_466, %add3A_469 : vector<16xi32>
      %gather3A_471 = tpu.vector_load_idx %arg7[%add3A_470] : memref<12800xf32, #tpu.memory_space<vmem>>[vector<16xi32>], vector<16xf32>,
      %mul3A_472 = arith.constant 1.024000e+03 : f32
      %mul3A_473 = vector.broadcast %mul3A_472 : f32 to vector<16xf32>
      %mul3A_474 = arith.mulf %gather3A_467, %mul3A_473 : vector<16xf32>
      %convert_element_type3A_475 = arith.fptosi %mul3A_474 : vector<16xf32> to vector<16xi32>
      %jit3A_476 = arith.constant 0 : i32
      %jit3A_477 = arith.constant 1023 : i32
      %max3A_478 = vector.broadcast %jit3A_476 : i32 to vector<16xi32>
      %max3A_479 = arith.maxsi %max3A_478, %convert_element_type3A_475 : vector<16xi32>
      %min3A_480 = vector.broadcast %jit3A_477 : i32 to vector<16xi32>
      %min3A_481 = arith.minsi %min3A_480, %max3A_479 : vector<16xi32>
      %mul3A_482 = arith.constant 1.024000e+03 : f32
      %mul3A_483 = vector.broadcast %mul3A_482 : f32 to vector<16xf32>
      %mul3A_484 = arith.mulf %gather3A_471, %mul3A_483 : vector<16xf32>
      %convert_element_type3A_485 = arith.fptosi %mul3A_484 : vector<16xf32> to vector<16xi32>
      %jit3A_486 = arith.constant 0 : i32
      %jit3A_487 = arith.constant 1023 : i32
      %max3A_488 = vector.broadcast %jit3A_486 : i32 to vector<16xi32>
      %max3A_489 = arith.maxsi %max3A_488, %convert_element_type3A_485 : vector<16xi32>
      %min3A_490 = vector.broadcast %jit3A_487 : i32 to vector<16xi32>
      %min3A_491 = arith.minsi %min3A_490, %max3A_489 : vector<16xi32>
      %mul3A_492 = arith.constant 1024 : i32
      %mul3A_493 = vector.broadcast %mul3A_492 : i32 to vector<16xi32>
      %mul3A_494 = arith.muli %min3A_481, %mul3A_493 : vector<16xi32>
      %add3A_495 = arith.addi %mul3A_494, %min3A_491 : vector<16xi32>
      %swap3A_496 = arith.constant 32 : index
      %swap3A_497 = tpu.vector_load %arg9[%swap3A_496] {strides = array<i32>} : memref<128xi32, #tpu.memory_space<vmem>>, vector<16xi32>,
      tpu.vector_store %arg9[%swap3A_496], %add3A_495 {strides = array<i32>} : memref<128xi32, #tpu.memory_space<vmem>>, vector<16xi32>,
      %mul3A_498 = arith.constant 256 : i32
      %mul3A_499 = arith.muli %add3A_377, %mul3A_498 : i32
      %add3A_500 = arith.constant 96 : i32
      %add3A_501 = arith.addi %mul3A_499, %add3A_500 : i32
      %mul3A_502 = arith.constant 2 : i32
      %mul3A_503 = vector.broadcast %mul3A_502 : i32 to vector<16xi32>
      %mul3A_504 = arith.muli %mul3A_503, %iota3A : vector<16xi32>
      %add3A_505 = vector.broadcast %add3A_501 : i32 to vector<16xi32>
      %add3A_506 = arith.addi %add3A_505, %mul3A_504 : vector<16xi32>
      %gather3A_507 = tpu.vector_load_idx %arg7[%add3A_506] : memref<12800xf32, #tpu.memory_space<vmem>>[vector<16xi32>], vector<16xf32>,
      %add3A_508 = arith.constant 1 : i32
      %add3A_509 = vector.broadcast %add3A_508 : i32 to vector<16xi32>
      %add3A_510 = arith.addi %add3A_506, %add3A_509 : vector<16xi32>
      %gather3A_511 = tpu.vector_load_idx %arg7[%add3A_510] : memref<12800xf32, #tpu.memory_space<vmem>>[vector<16xi32>], vector<16xf32>,
      %mul3A_512 = arith.constant 1.024000e+03 : f32
      %mul3A_513 = vector.broadcast %mul3A_512 : f32 to vector<16xf32>
      %mul3A_514 = arith.mulf %gather3A_507, %mul3A_513 : vector<16xf32>
      %convert_element_type3A_515 = arith.fptosi %mul3A_514 : vector<16xf32> to vector<16xi32>
      %jit3A_516 = arith.constant 0 : i32
      %jit3A_517 = arith.constant 1023 : i32
      %max3A_518 = vector.broadcast %jit3A_516 : i32 to vector<16xi32>
      %max3A_519 = arith.maxsi %max3A_518, %convert_element_type3A_515 : vector<16xi32>
      %min3A_520 = vector.broadcast %jit3A_517 : i32 to vector<16xi32>
      %min3A_521 = arith.minsi %min3A_520, %max3A_519 : vector<16xi32>
      %mul3A_522 = arith.constant 1.024000e+03 : f32
      %mul3A_523 = vector.broadcast %mul3A_522 : f32 to vector<16xf32>
      %mul3A_524 = arith.mulf %gather3A_511, %mul3A_523 : vector<16xf32>
      %convert_element_type3A_525 = arith.fptosi %mul3A_524 : vector<16xf32> to vector<16xi32>
      %jit3A_526 = arith.constant 0 : i32
      %jit3A_527 = arith.constant 1023 : i32
      %max3A_528 = vector.broadcast %jit3A_526 : i32 to vector<16xi32>
      %max3A_529 = arith.maxsi %max3A_528, %convert_element_type3A_525 : vector<16xi32>
      %min3A_530 = vector.broadcast %jit3A_527 : i32 to vector<16xi32>
      %min3A_531 = arith.minsi %min3A_530, %max3A_529 : vector<16xi32>
      %mul3A_532 = arith.constant 1024 : i32
      %mul3A_533 = vector.broadcast %mul3A_532 : i32 to vector<16xi32>
      %mul3A_534 = arith.muli %min3A_521, %mul3A_533 : vector<16xi32>
      %add3A_535 = arith.addi %mul3A_534, %min3A_531 : vector<16xi32>
      %swap3A_536 = arith.constant 48 : index
      %swap3A_537 = tpu.vector_load %arg9[%swap3A_536] {strides = array<i32>} : memref<128xi32, #tpu.memory_space<vmem>>, vector<16xi32>,
      tpu.vector_store %arg9[%swap3A_536], %add3A_535 {strides = array<i32>} : memref<128xi32, #tpu.memory_space<vmem>>, vector<16xi32>,
      %mul3A_538 = arith.constant 256 : i32
      %mul3A_539 = arith.muli %add3A_377, %mul3A_538 : i32
      %add3A_540 = arith.constant 128 : i32
      %add3A_541 = arith.addi %mul3A_539, %add3A_540 : i32
      %mul3A_542 = arith.constant 2 : i32
      %mul3A_543 = vector.broadcast %mul3A_542 : i32 to vector<16xi32>
      %mul3A_544 = arith.muli %mul3A_543, %iota3A : vector<16xi32>
      %add3A_545 = vector.broadcast %add3A_541 : i32 to vector<16xi32>
      %add3A_546 = arith.addi %add3A_545, %mul3A_544 : vector<16xi32>
      %gather3A_547 = tpu.vector_load_idx %arg7[%add3A_546] : memref<12800xf32, #tpu.memory_space<vmem>>[vector<16xi32>], vector<16xf32>,
      %add3A_548 = arith.constant 1 : i32
      %add3A_549 = vector.broadcast %add3A_548 : i32 to vector<16xi32>
      %add3A_550 = arith.addi %add3A_546, %add3A_549 : vector<16xi32>
      %gather3A_551 = tpu.vector_load_idx %arg7[%add3A_550] : memref<12800xf32, #tpu.memory_space<vmem>>[vector<16xi32>], vector<16xf32>,
      %mul3A_552 = arith.constant 1.024000e+03 : f32
      %mul3A_553 = vector.broadcast %mul3A_552 : f32 to vector<16xf32>
      %mul3A_554 = arith.mulf %gather3A_547, %mul3A_553 : vector<16xf32>
      %convert_element_type3A_555 = arith.fptosi %mul3A_554 : vector<16xf32> to vector<16xi32>
      %jit3A_556 = arith.constant 0 : i32
      %jit3A_557 = arith.constant 1023 : i32
      %max3A_558 = vector.broadcast %jit3A_556 : i32 to vector<16xi32>
      %max3A_559 = arith.maxsi %max3A_558, %convert_element_type3A_555 : vector<16xi32>
      %min3A_560 = vector.broadcast %jit3A_557 : i32 to vector<16xi32>
      %min3A_561 = arith.minsi %min3A_560, %max3A_559 : vector<16xi32>
      %mul3A_562 = arith.constant 1.024000e+03 : f32
      %mul3A_563 = vector.broadcast %mul3A_562 : f32 to vector<16xf32>
      %mul3A_564 = arith.mulf %gather3A_551, %mul3A_563 : vector<16xf32>
      %convert_element_type3A_565 = arith.fptosi %mul3A_564 : vector<16xf32> to vector<16xi32>
      %jit3A_566 = arith.constant 0 : i32
      %jit3A_567 = arith.constant 1023 : i32
      %max3A_568 = vector.broadcast %jit3A_566 : i32 to vector<16xi32>
      %max3A_569 = arith.maxsi %max3A_568, %convert_element_type3A_565 : vector<16xi32>
      %min3A_570 = vector.broadcast %jit3A_567 : i32 to vector<16xi32>
      %min3A_571 = arith.minsi %min3A_570, %max3A_569 : vector<16xi32>
      %mul3A_572 = arith.constant 1024 : i32
      %mul3A_573 = vector.broadcast %mul3A_572 : i32 to vector<16xi32>
      %mul3A_574 = arith.muli %min3A_561, %mul3A_573 : vector<16xi32>
      %add3A_575 = arith.addi %mul3A_574, %min3A_571 : vector<16xi32>
      %swap3A_576 = arith.constant 64 : index
      %swap3A_577 = tpu.vector_load %arg9[%swap3A_576] {strides = array<i32>} : memref<128xi32, #tpu.memory_space<vmem>>, vector<16xi32>,
      tpu.vector_store %arg9[%swap3A_576], %add3A_575 {strides = array<i32>} : memref<128xi32, #tpu.memory_space<vmem>>, vector<16xi32>,
      %mul3A_578 = arith.constant 256 : i32
      %mul3A_579 = arith.muli %add3A_377, %mul3A_578 : i32
      %add3A_580 = arith.constant 160 : i32
      %add3A_581 = arith.addi %mul3A_579, %add3A_580 : i32
      %mul3A_582 = arith.constant 2 : i32
      %mul3A_583 = vector.broadcast %mul3A_582 : i32 to vector<16xi32>
      %mul3A_584 = arith.muli %mul3A_583, %iota3A : vector<16xi32>
      %add3A_585 = vector.broadcast %add3A_581 : i32 to vector<16xi32>
      %add3A_586 = arith.addi %add3A_585, %mul3A_584 : vector<16xi32>
      %gather3A_587 = tpu.vector_load_idx %arg7[%add3A_586] : memref<12800xf32, #tpu.memory_space<vmem>>[vector<16xi32>], vector<16xf32>,
      %add3A_588 = arith.constant 1 : i32
      %add3A_589 = vector.broadcast %add3A_588 : i32 to vector<16xi32>
      %add3A_590 = arith.addi %add3A_586, %add3A_589 : vector<16xi32>
      %gather3A_591 = tpu.vector_load_idx %arg7[%add3A_590] : memref<12800xf32, #tpu.memory_space<vmem>>[vector<16xi32>], vector<16xf32>,
      %mul3A_592 = arith.constant 1.024000e+03 : f32
      %mul3A_593 = vector.broadcast %mul3A_592 : f32 to vector<16xf32>
      %mul3A_594 = arith.mulf %gather3A_587, %mul3A_593 : vector<16xf32>
      %convert_element_type3A_595 = arith.fptosi %mul3A_594 : vector<16xf32> to vector<16xi32>
      %jit3A_596 = arith.constant 0 : i32
      %jit3A_597 = arith.constant 1023 : i32
      %max3A_598 = vector.broadcast %jit3A_596 : i32 to vector<16xi32>
      %max3A_599 = arith.maxsi %max3A_598, %convert_element_type3A_595 : vector<16xi32>
      %min3A_600 = vector.broadcast %jit3A_597 : i32 to vector<16xi32>
      %min3A_601 = arith.minsi %min3A_600, %max3A_599 : vector<16xi32>
      %mul3A_602 = arith.constant 1.024000e+03 : f32
      %mul3A_603 = vector.broadcast %mul3A_602 : f32 to vector<16xf32>
      %mul3A_604 = arith.mulf %gather3A_591, %mul3A_603 : vector<16xf32>
      %convert_element_type3A_605 = arith.fptosi %mul3A_604 : vector<16xf32> to vector<16xi32>
      %jit3A_606 = arith.constant 0 : i32
      %jit3A_607 = arith.constant 1023 : i32
      %max3A_608 = vector.broadcast %jit3A_606 : i32 to vector<16xi32>
      %max3A_609 = arith.maxsi %max3A_608, %convert_element_type3A_605 : vector<16xi32>
      %min3A_610 = vector.broadcast %jit3A_607 : i32 to vector<16xi32>
      %min3A_611 = arith.minsi %min3A_610, %max3A_609 : vector<16xi32>
      %mul3A_612 = arith.constant 1024 : i32
      %mul3A_613 = vector.broadcast %mul3A_612 : i32 to vector<16xi32>
      %mul3A_614 = arith.muli %min3A_601, %mul3A_613 : vector<16xi32>
      %add3A_615 = arith.addi %mul3A_614, %min3A_611 : vector<16xi32>
      %swap3A_616 = arith.constant 80 : index
      %swap3A_617 = tpu.vector_load %arg9[%swap3A_616] {strides = array<i32>} : memref<128xi32, #tpu.memory_space<vmem>>, vector<16xi32>,
      tpu.vector_store %arg9[%swap3A_616], %add3A_615 {strides = array<i32>} : memref<128xi32, #tpu.memory_space<vmem>>, vector<16xi32>,
      %mul3A_618 = arith.constant 256 : i32
      %mul3A_619 = arith.muli %add3A_377, %mul3A_618 : i32
      %add3A_620 = arith.constant 192 : i32
      %add3A_621 = arith.addi %mul3A_619, %add3A_620 : i32
      %mul3A_622 = arith.constant 2 : i32
      %mul3A_623 = vector.broadcast %mul3A_622 : i32 to vector<16xi32>
      %mul3A_624 = arith.muli %mul3A_623, %iota3A : vector<16xi32>
      %add3A_625 = vector.broadcast %add3A_621 : i32 to vector<16xi32>
      %add3A_626 = arith.addi %add3A_625, %mul3A_624 : vector<16xi32>
      %gather3A_627 = tpu.vector_load_idx %arg7[%add3A_626] : memref<12800xf32, #tpu.memory_space<vmem>>[vector<16xi32>], vector<16xf32>,
      %add3A_628 = arith.constant 1 : i32
      %add3A_629 = vector.broadcast %add3A_628 : i32 to vector<16xi32>
      %add3A_630 = arith.addi %add3A_626, %add3A_629 : vector<16xi32>
      %gather3A_631 = tpu.vector_load_idx %arg7[%add3A_630] : memref<12800xf32, #tpu.memory_space<vmem>>[vector<16xi32>], vector<16xf32>,
      %mul3A_632 = arith.constant 1.024000e+03 : f32
      %mul3A_633 = vector.broadcast %mul3A_632 : f32 to vector<16xf32>
      %mul3A_634 = arith.mulf %gather3A_627, %mul3A_633 : vector<16xf32>
      %convert_element_type3A_635 = arith.fptosi %mul3A_634 : vector<16xf32> to vector<16xi32>
      %jit3A_636 = arith.constant 0 : i32
      %jit3A_637 = arith.constant 1023 : i32
      %max3A_638 = vector.broadcast %jit3A_636 : i32 to vector<16xi32>
      %max3A_639 = arith.maxsi %max3A_638, %convert_element_type3A_635 : vector<16xi32>
      %min3A_640 = vector.broadcast %jit3A_637 : i32 to vector<16xi32>
      %min3A_641 = arith.minsi %min3A_640, %max3A_639 : vector<16xi32>
      %mul3A_642 = arith.constant 1.024000e+03 : f32
      %mul3A_643 = vector.broadcast %mul3A_642 : f32 to vector<16xf32>
      %mul3A_644 = arith.mulf %gather3A_631, %mul3A_643 : vector<16xf32>
      %convert_element_type3A_645 = arith.fptosi %mul3A_644 : vector<16xf32> to vector<16xi32>
      %jit3A_646 = arith.constant 0 : i32
      %jit3A_647 = arith.constant 1023 : i32
      %max3A_648 = vector.broadcast %jit3A_646 : i32 to vector<16xi32>
      %max3A_649 = arith.maxsi %max3A_648, %convert_element_type3A_645 : vector<16xi32>
      %min3A_650 = vector.broadcast %jit3A_647 : i32 to vector<16xi32>
      %min3A_651 = arith.minsi %min3A_650, %max3A_649 : vector<16xi32>
      %mul3A_652 = arith.constant 1024 : i32
      %mul3A_653 = vector.broadcast %mul3A_652 : i32 to vector<16xi32>
      %mul3A_654 = arith.muli %min3A_641, %mul3A_653 : vector<16xi32>
      %add3A_655 = arith.addi %mul3A_654, %min3A_651 : vector<16xi32>
      %swap3A_656 = arith.constant 96 : index
      %swap3A_657 = tpu.vector_load %arg9[%swap3A_656] {strides = array<i32>} : memref<128xi32, #tpu.memory_space<vmem>>, vector<16xi32>,
      tpu.vector_store %arg9[%swap3A_656], %add3A_655 {strides = array<i32>} : memref<128xi32, #tpu.memory_space<vmem>>, vector<16xi32>,
      %mul3A_658 = arith.constant 256 : i32
      %mul3A_659 = arith.muli %add3A_377, %mul3A_658 : i32
      %add3A_660 = arith.constant 224 : i32
      %add3A_661 = arith.addi %mul3A_659, %add3A_660 : i32
      %mul3A_662 = arith.constant 2 : i32
      %mul3A_663 = vector.broadcast %mul3A_662 : i32 to vector<16xi32>
      %mul3A_664 = arith.muli %mul3A_663, %iota3A : vector<16xi32>
      %add3A_665 = vector.broadcast %add3A_661 : i32 to vector<16xi32>
      %add3A_666 = arith.addi %add3A_665, %mul3A_664 : vector<16xi32>
      %gather3A_667 = tpu.vector_load_idx %arg7[%add3A_666] : memref<12800xf32, #tpu.memory_space<vmem>>[vector<16xi32>], vector<16xf32>,
      %add3A_668 = arith.constant 1 : i32
      %add3A_669 = vector.broadcast %add3A_668 : i32 to vector<16xi32>
      %add3A_670 = arith.addi %add3A_666, %add3A_669 : vector<16xi32>
      %gather3A_671 = tpu.vector_load_idx %arg7[%add3A_670] : memref<12800xf32, #tpu.memory_space<vmem>>[vector<16xi32>], vector<16xf32>,
      %mul3A_672 = arith.constant 1.024000e+03 : f32
      %mul3A_673 = vector.broadcast %mul3A_672 : f32 to vector<16xf32>
      %mul3A_674 = arith.mulf %gather3A_667, %mul3A_673 : vector<16xf32>
      %convert_element_type3A_675 = arith.fptosi %mul3A_674 : vector<16xf32> to vector<16xi32>
      %jit3A_676 = arith.constant 0 : i32
      %jit3A_677 = arith.constant 1023 : i32
      %max3A_678 = vector.broadcast %jit3A_676 : i32 to vector<16xi32>
      %max3A_679 = arith.maxsi %max3A_678, %convert_element_type3A_675 : vector<16xi32>
      %min3A_680 = vector.broadcast %jit3A_677 : i32 to vector<16xi32>
      %min3A_681 = arith.minsi %min3A_680, %max3A_679 : vector<16xi32>
      %mul3A_682 = arith.constant 1.024000e+03 : f32
      %mul3A_683 = vector.broadcast %mul3A_682 : f32 to vector<16xf32>
      %mul3A_684 = arith.mulf %gather3A_671, %mul3A_683 : vector<16xf32>
      %convert_element_type3A_685 = arith.fptosi %mul3A_684 : vector<16xf32> to vector<16xi32>
      %jit3A_686 = arith.constant 0 : i32
      %jit3A_687 = arith.constant 1023 : i32
      %max3A_688 = vector.broadcast %jit3A_686 : i32 to vector<16xi32>
      %max3A_689 = arith.maxsi %max3A_688, %convert_element_type3A_685 : vector<16xi32>
      %min3A_690 = vector.broadcast %jit3A_687 : i32 to vector<16xi32>
      %min3A_691 = arith.minsi %min3A_690, %max3A_689 : vector<16xi32>
      %mul3A_692 = arith.constant 1024 : i32
      %mul3A_693 = vector.broadcast %mul3A_692 : i32 to vector<16xi32>
      %mul3A_694 = arith.muli %min3A_681, %mul3A_693 : vector<16xi32>
      %add3A_695 = arith.addi %mul3A_694, %min3A_691 : vector<16xi32>
      %swap3A_696 = arith.constant 112 : index
      %swap3A_697 = tpu.vector_load %arg9[%swap3A_696] {strides = array<i32>} : memref<128xi32, #tpu.memory_space<vmem>>, vector<16xi32>,
      tpu.vector_store %arg9[%swap3A_696], %add3A_695 {strides = array<i32>} : memref<128xi32, #tpu.memory_space<vmem>>, vector<16xi32>,
      %dma_start3A_698 = arith.constant 0 : i32
      %dma_start3A_699 = arith.constant 0 : i32
      %dma_start3A_700 = tpu.memref_slice %arg5[%dma_start3A_698, %dma_start3A_699] : memref<1048576x128xf32, #tpu.memory_space<hbm>> -> memref<1048576x128xf32, #tpu.memory_space<hbm>>
      tpu.enqueue_indirect_dma source(%dma_start3A_700 : memref<1048576x128xf32, #tpu.memory_space<hbm>>) target(%arg11 : memref<128x128xf32, #tpu.memory_space<vmem>>) offsets(%arg9 : memref<128xi32, #tpu.memory_space<vmem>>) semaphore(%arg17 : memref<!tpu.dma_semaphore, #tpu.memory_space<semaphore_mem>>)
      %gt3A = arith.constant 0 : i32
      %gt3A_701 = arith.cmpi sgt, %scan3A_371, %gt3A : i32
      %convert_element_type3A_702 = arith.extui %gt3A_701 : i1 to i32
      %cond3A = arith.constant 0 : i32
      %cond3A_703 = arith.cmpi ne, %convert_element_type3A_702, %cond3A : i32
      scf.if %cond3A_703 {
        %mul3A_757 = arith.constant 128 : i32
        %mul3A_758 = arith.muli %mul3A_373, %mul3A_757 : i32
        %add3A_759 = arith.addi %mul3A_2, %mul3A_758 : i32
        %dma_wait3A_760 = arith.constant 0 : i32
        %dma_wait3A_761 = tpu.memref_slice %arg6[%add3A_759, %dma_wait3A_760] : memref<204800x128xf32, #tpu.memory_space<hbm>> -> memref<128x128xf32, #tpu.memory_space<hbm>>
        %dma_wait3A_762 = arith.constant 0 : i32
        %dma_wait3A_763 = tpu.memref_slice %arg6[%add3A_759, %dma_wait3A_762] : memref<204800x128xf32, #tpu.memory_space<hbm>> -> memref<128x128xf32, #tpu.memory_space<hbm>>
        tpu.wait_dma2 semaphore(%arg18 : memref<!tpu.dma_semaphore, #tpu.memory_space<semaphore_mem>>) src(%arg12 : memref<128x128xf32, #tpu.memory_space<vmem>>) dst(%dma_wait3A_763 : memref<128x128xf32, #tpu.memory_space<hbm>>)
      } else {
      }
      %mul3A_704 = arith.constant 256 : i32
      %mul3A_705 = arith.muli %mul3A_373, %mul3A_704 : i32
      %scan3A_706 = arith.constant 0 : i32
      %scan3A_707 = arith.constant 128 : i32
      %scan3A_708 = arith.addi %scan3A_706, %scan3A_707 : i32
      %scan3A_709 = arith.constant 2 : i32
      scf.for %scan3A_757 = %scan3A_706 to %scan3A_708 step %scan3A_709  : i32 {
        %mul3A_758 = arith.constant 2 : i32
        %mul3A_759 = arith.muli %mul3A_758, %scan3A_757 : i32
        %add3A_760 = arith.addi %mul3A_705, %mul3A_759 : i32
        %broadcast_in_dim3A = vector.broadcast %add3A_760 : i32 to vector<16xi32>
        %gather3A_761 = tpu.vector_load_idx %arg7[%broadcast_in_dim3A] : memref<12800xf32, #tpu.memory_space<vmem>>[vector<16xi32>], vector<16xf32>,
        %mul3A_762 = arith.constant 2 : i32
        %mul3A_763 = arith.muli %mul3A_762, %scan3A_757 : i32
        %add3A_764 = arith.addi %mul3A_705, %mul3A_763 : i32
        %add3A_765 = arith.constant 1 : i32
        %add3A_766 = arith.addi %add3A_764, %add3A_765 : i32
        %broadcast_in_dim3A_767 = vector.broadcast %add3A_766 : i32 to vector<16xi32>
        %gather3A_768 = tpu.vector_load_idx %arg7[%broadcast_in_dim3A_767] : memref<12800xf32, #tpu.memory_space<vmem>>[vector<16xi32>], vector<16xf32>,
        %mul3A_769 = arith.mulf %gather3A_761, %get3A_5 : vector<16xf32>
        %mul3A_770 = arith.mulf %gather3A_768, %get3A_13 : vector<16xf32>
        %add3A_771 = arith.addf %mul3A_769, %mul3A_770 : vector<16xf32>
        %add3A_772 = arith.addf %add3A_771, %get3A_21 : vector<16xf32>
        %swap3A_773 = arith.index_cast %scan3A_757 : i32 to index
        %swap3A_774 = arith.constant 0 : index
        %swap3A_775 = tpu.vector_load %arg12[%swap3A_773, %swap3A_774] {strides = array<i32>} : memref<128x128xf32, #tpu.memory_space<vmem>>, vector<16xf32>,
        tpu.vector_store %arg12[%swap3A_773, %swap3A_774], %add3A_772 {strides = array<i32>} : memref<128x128xf32, #tpu.memory_space<vmem>>, vector<16xf32>,
        %mul3A_776 = arith.mulf %gather3A_761, %get3A_7 : vector<16xf32>
        %mul3A_777 = arith.mulf %gather3A_768, %get3A_15 : vector<16xf32>
        %add3A_778 = arith.addf %mul3A_776, %mul3A_777 : vector<16xf32>
        %add3A_779 = arith.addf %add3A_778, %get3A_23 : vector<16xf32>
        %swap3A_780 = arith.index_cast %scan3A_757 : i32 to index
        %swap3A_781 = arith.constant 16 : index
        %swap3A_782 = tpu.vector_load %arg12[%swap3A_780, %swap3A_781] {strides = array<i32>} : memref<128x128xf32, #tpu.memory_space<vmem>>, vector<16xf32>,
        tpu.vector_store %arg12[%swap3A_780, %swap3A_781], %add3A_779 {strides = array<i32>} : memref<128x128xf32, #tpu.memory_space<vmem>>, vector<16xf32>,
        %mul3A_783 = arith.mulf %gather3A_761, %get3A_9 : vector<16xf32>
        %mul3A_784 = arith.mulf %gather3A_768, %get3A_17 : vector<16xf32>
        %add3A_785 = arith.addf %mul3A_783, %mul3A_784 : vector<16xf32>
        %add3A_786 = arith.addf %add3A_785, %get3A_25 : vector<16xf32>
        %swap3A_787 = arith.index_cast %scan3A_757 : i32 to index
        %swap3A_788 = arith.constant 32 : index
        %swap3A_789 = tpu.vector_load %arg12[%swap3A_787, %swap3A_788] {strides = array<i32>} : memref<128x128xf32, #tpu.memory_space<vmem>>, vector<16xf32>,
        tpu.vector_store %arg12[%swap3A_787, %swap3A_788], %add3A_786 {strides = array<i32>} : memref<128x128xf32, #tpu.memory_space<vmem>>, vector<16xf32>,
        %mul3A_790 = arith.mulf %gather3A_761, %get3A_11 : vector<16xf32>
        %mul3A_791 = arith.mulf %gather3A_768, %get3A_19 : vector<16xf32>
        %add3A_792 = arith.addf %mul3A_790, %mul3A_791 : vector<16xf32>
        %add3A_793 = arith.addf %add3A_792, %get3A_27 : vector<16xf32>
        %swap3A_794 = arith.index_cast %scan3A_757 : i32 to index
        %swap3A_795 = arith.constant 48 : index
        %swap3A_796 = tpu.vector_load %arg12[%swap3A_794, %swap3A_795] {strides = array<i32>} : memref<128x128xf32, #tpu.memory_space<vmem>>, vector<16xf32>,
        tpu.vector_store %arg12[%swap3A_794, %swap3A_795], %add3A_793 {strides = array<i32>} : memref<128x128xf32, #tpu.memory_space<vmem>>, vector<16xf32>,
        %scan3A_797 = arith.constant 1 : i32
        %scan3A_798 = arith.addi %scan3A_757, %scan3A_797 : i32
        %mul3A_799 = arith.constant 2 : i32
        %mul3A_800 = arith.muli %mul3A_799, %scan3A_798 : i32
        %add3A_801 = arith.addi %mul3A_705, %mul3A_800 : i32
        %broadcast_in_dim3A_802 = vector.broadcast %add3A_801 : i32 to vector<16xi32>
        %gather3A_803 = tpu.vector_load_idx %arg7[%broadcast_in_dim3A_802] : memref<12800xf32, #tpu.memory_space<vmem>>[vector<16xi32>], vector<16xf32>,
        %mul3A_804 = arith.constant 2 : i32
        %mul3A_805 = arith.muli %mul3A_804, %scan3A_798 : i32
        %add3A_806 = arith.addi %mul3A_705, %mul3A_805 : i32
        %add3A_807 = arith.constant 1 : i32
        %add3A_808 = arith.addi %add3A_806, %add3A_807 : i32
        %broadcast_in_dim3A_809 = vector.broadcast %add3A_808 : i32 to vector<16xi32>
        %gather3A_810 = tpu.vector_load_idx %arg7[%broadcast_in_dim3A_809] : memref<12800xf32, #tpu.memory_space<vmem>>[vector<16xi32>], vector<16xf32>,
        %mul3A_811 = arith.mulf %gather3A_803, %get3A_5 : vector<16xf32>
        %mul3A_812 = arith.mulf %gather3A_810, %get3A_13 : vector<16xf32>
        %add3A_813 = arith.addf %mul3A_811, %mul3A_812 : vector<16xf32>
        %add3A_814 = arith.addf %add3A_813, %get3A_21 : vector<16xf32>
        %swap3A_815 = arith.index_cast %scan3A_798 : i32 to index
        %swap3A_816 = arith.constant 0 : index
        %swap3A_817 = tpu.vector_load %arg12[%swap3A_815, %swap3A_816] {strides = array<i32>} : memref<128x128xf32, #tpu.memory_space<vmem>>, vector<16xf32>,
        tpu.vector_store %arg12[%swap3A_815, %swap3A_816], %add3A_814 {strides = array<i32>} : memref<128x128xf32, #tpu.memory_space<vmem>>, vector<16xf32>,
        %mul3A_818 = arith.mulf %gather3A_803, %get3A_7 : vector<16xf32>
        %mul3A_819 = arith.mulf %gather3A_810, %get3A_15 : vector<16xf32>
        %add3A_820 = arith.addf %mul3A_818, %mul3A_819 : vector<16xf32>
        %add3A_821 = arith.addf %add3A_820, %get3A_23 : vector<16xf32>
        %swap3A_822 = arith.index_cast %scan3A_798 : i32 to index
        %swap3A_823 = arith.constant 16 : index
        %swap3A_824 = tpu.vector_load %arg12[%swap3A_822, %swap3A_823] {strides = array<i32>} : memref<128x128xf32, #tpu.memory_space<vmem>>, vector<16xf32>,
        tpu.vector_store %arg12[%swap3A_822, %swap3A_823], %add3A_821 {strides = array<i32>} : memref<128x128xf32, #tpu.memory_space<vmem>>, vector<16xf32>,
        %mul3A_825 = arith.mulf %gather3A_803, %get3A_9 : vector<16xf32>
        %mul3A_826 = arith.mulf %gather3A_810, %get3A_17 : vector<16xf32>
        %add3A_827 = arith.addf %mul3A_825, %mul3A_826 : vector<16xf32>
        %add3A_828 = arith.addf %add3A_827, %get3A_25 : vector<16xf32>
        %swap3A_829 = arith.index_cast %scan3A_798 : i32 to index
        %swap3A_830 = arith.constant 32 : index
        %swap3A_831 = tpu.vector_load %arg12[%swap3A_829, %swap3A_830] {strides = array<i32>} : memref<128x128xf32, #tpu.memory_space<vmem>>, vector<16xf32>,
        tpu.vector_store %arg12[%swap3A_829, %swap3A_830], %add3A_828 {strides = array<i32>} : memref<128x128xf32, #tpu.memory_space<vmem>>, vector<16xf32>,
        %mul3A_832 = arith.mulf %gather3A_803, %get3A_11 : vector<16xf32>
        %mul3A_833 = arith.mulf %gather3A_810, %get3A_19 : vector<16xf32>
        %add3A_834 = arith.addf %mul3A_832, %mul3A_833 : vector<16xf32>
        %add3A_835 = arith.addf %add3A_834, %get3A_27 : vector<16xf32>
        %swap3A_836 = arith.index_cast %scan3A_798 : i32 to index
        %swap3A_837 = arith.constant 48 : index
        %swap3A_838 = tpu.vector_load %arg12[%swap3A_836, %swap3A_837] {strides = array<i32>} : memref<128x128xf32, #tpu.memory_space<vmem>>, vector<16xf32>,
        tpu.vector_store %arg12[%swap3A_836, %swap3A_837], %add3A_835 {strides = array<i32>} : memref<128x128xf32, #tpu.memory_space<vmem>>, vector<16xf32>,
      }
      %scan3A_710 = arith.constant 128 : i32
      %dma_wait3A_711 = arith.constant 0 : i32
      %dma_wait3A_712 = arith.constant 0 : i32
      %dma_wait3A_713 = tpu.memref_slice %arg5[%dma_wait3A_711, %dma_wait3A_712] : memref<1048576x128xf32, #tpu.memory_space<hbm>> -> memref<1048576x128xf32, #tpu.memory_space<hbm>>
      tpu.wait_indirect_dma semaphore(%arg16 : memref<!tpu.dma_semaphore, #tpu.memory_space<semaphore_mem>>) src(%dma_wait3A_713 : memref<1048576x128xf32, #tpu.memory_space<hbm>>) dst(%arg10 : memref<128x128xf32, #tpu.memory_space<vmem>>)
      %scan3A_714 = arith.constant 0 : i32
      %scan3A_715 = arith.constant 128 : i32
      %scan3A_716 = arith.addi %scan3A_714, %scan3A_715 : i32
      %scan3A_717 = arith.constant 2 : i32
      scf.for %scan3A_757 = %scan3A_714 to %scan3A_716 step %scan3A_717  : i32 {
        %get3A_758 = arith.index_cast %scan3A_757 : i32 to index
        %get3A_759 = arith.constant 0 : index
        %get3A_760 = tpu.vector_load %arg10[%get3A_758, %get3A_759] {strides = array<i32>} : memref<128x128xf32, #tpu.memory_space<vmem>>, vector<16xf32>,
        %swap3A_761 = arith.index_cast %scan3A_757 : i32 to index
        %swap3A_762 = arith.constant 64 : index
        %swap3A_763 = tpu.vector_load %arg12[%swap3A_761, %swap3A_762] {strides = array<i32>} : memref<128x128xf32, #tpu.memory_space<vmem>>, vector<16xf32>,
        tpu.vector_store %arg12[%swap3A_761, %swap3A_762], %get3A_760 {strides = array<i32>} : memref<128x128xf32, #tpu.memory_space<vmem>>, vector<16xf32>,
        %get3A_764 = arith.index_cast %scan3A_757 : i32 to index
        %get3A_765 = arith.constant 16 : index
        %get3A_766 = tpu.vector_load %arg10[%get3A_764, %get3A_765] {strides = array<i32>} : memref<128x128xf32, #tpu.memory_space<vmem>>, vector<16xf32>,
        %swap3A_767 = arith.index_cast %scan3A_757 : i32 to index
        %swap3A_768 = arith.constant 80 : index
        %swap3A_769 = tpu.vector_load %arg12[%swap3A_767, %swap3A_768] {strides = array<i32>} : memref<128x128xf32, #tpu.memory_space<vmem>>, vector<16xf32>,
        tpu.vector_store %arg12[%swap3A_767, %swap3A_768], %get3A_766 {strides = array<i32>} : memref<128x128xf32, #tpu.memory_space<vmem>>, vector<16xf32>,
        %get3A_770 = arith.index_cast %scan3A_757 : i32 to index
        %get3A_771 = arith.constant 32 : index
        %get3A_772 = tpu.vector_load %arg10[%get3A_770, %get3A_771] {strides = array<i32>} : memref<128x128xf32, #tpu.memory_space<vmem>>, vector<16xf32>,
        %swap3A_773 = arith.index_cast %scan3A_757 : i32 to index
        %swap3A_774 = arith.constant 96 : index
        %swap3A_775 = tpu.vector_load %arg12[%swap3A_773, %swap3A_774] {strides = array<i32>} : memref<128x128xf32, #tpu.memory_space<vmem>>, vector<16xf32>,
        tpu.vector_store %arg12[%swap3A_773, %swap3A_774], %get3A_772 {strides = array<i32>} : memref<128x128xf32, #tpu.memory_space<vmem>>, vector<16xf32>,
        %get3A_776 = arith.index_cast %scan3A_757 : i32 to index
        %get3A_777 = arith.constant 48 : index
        %get3A_778 = tpu.vector_load %arg10[%get3A_776, %get3A_777] {strides = array<i32>} : memref<128x128xf32, #tpu.memory_space<vmem>>, vector<16xf32>,
        %swap3A_779 = arith.index_cast %scan3A_757 : i32 to index
        %swap3A_780 = arith.constant 112 : index
        %swap3A_781 = tpu.vector_load %arg12[%swap3A_779, %swap3A_780] {strides = array<i32>} : memref<128x128xf32, #tpu.memory_space<vmem>>, vector<16xf32>,
        tpu.vector_store %arg12[%swap3A_779, %swap3A_780], %get3A_778 {strides = array<i32>} : memref<128x128xf32, #tpu.memory_space<vmem>>, vector<16xf32>,
        %scan3A_782 = arith.constant 1 : i32
        %scan3A_783 = arith.addi %scan3A_757, %scan3A_782 : i32
        %get3A_784 = arith.index_cast %scan3A_783 : i32 to index
        %get3A_785 = arith.constant 0 : index
        %get3A_786 = tpu.vector_load %arg10[%get3A_784, %get3A_785] {strides = array<i32>} : memref<128x128xf32, #tpu.memory_space<vmem>>, vector<16xf32>,
        %swap3A_787 = arith.index_cast %scan3A_783 : i32 to index
        %swap3A_788 = arith.constant 64 : index
        %swap3A_789 = tpu.vector_load %arg12[%swap3A_787, %swap3A_788] {strides = array<i32>} : memref<128x128xf32, #tpu.memory_space<vmem>>, vector<16xf32>,
        tpu.vector_store %arg12[%swap3A_787, %swap3A_788], %get3A_786 {strides = array<i32>} : memref<128x128xf32, #tpu.memory_space<vmem>>, vector<16xf32>,
        %get3A_790 = arith.index_cast %scan3A_783 : i32 to index
        %get3A_791 = arith.constant 16 : index
        %get3A_792 = tpu.vector_load %arg10[%get3A_790, %get3A_791] {strides = array<i32>} : memref<128x128xf32, #tpu.memory_space<vmem>>, vector<16xf32>,
        %swap3A_793 = arith.index_cast %scan3A_783 : i32 to index
        %swap3A_794 = arith.constant 80 : index
        %swap3A_795 = tpu.vector_load %arg12[%swap3A_793, %swap3A_794] {strides = array<i32>} : memref<128x128xf32, #tpu.memory_space<vmem>>, vector<16xf32>,
        tpu.vector_store %arg12[%swap3A_793, %swap3A_794], %get3A_792 {strides = array<i32>} : memref<128x128xf32, #tpu.memory_space<vmem>>, vector<16xf32>,
        %get3A_796 = arith.index_cast %scan3A_783 : i32 to index
        %get3A_797 = arith.constant 32 : index
        %get3A_798 = tpu.vector_load %arg10[%get3A_796, %get3A_797] {strides = array<i32>} : memref<128x128xf32, #tpu.memory_space<vmem>>, vector<16xf32>,
        %swap3A_799 = arith.index_cast %scan3A_783 : i32 to index
        %swap3A_800 = arith.constant 96 : index
        %swap3A_801 = tpu.vector_load %arg12[%swap3A_799, %swap3A_800] {strides = array<i32>} : memref<128x128xf32, #tpu.memory_space<vmem>>, vector<16xf32>,
        tpu.vector_store %arg12[%swap3A_799, %swap3A_800], %get3A_798 {strides = array<i32>} : memref<128x128xf32, #tpu.memory_space<vmem>>, vector<16xf32>,
        %get3A_802 = arith.index_cast %scan3A_783 : i32 to index
        %get3A_803 = arith.constant 48 : index
        %get3A_804 = tpu.vector_load %arg10[%get3A_802, %get3A_803] {strides = array<i32>} : memref<128x128xf32, #tpu.memory_space<vmem>>, vector<16xf32>,
        %swap3A_805 = arith.index_cast %scan3A_783 : i32 to index
        %swap3A_806 = arith.constant 112 : index
        %swap3A_807 = tpu.vector_load %arg12[%swap3A_805, %swap3A_806] {strides = array<i32>} : memref<128x128xf32, #tpu.memory_space<vmem>>, vector<16xf32>,
        tpu.vector_store %arg12[%swap3A_805, %swap3A_806], %get3A_804 {strides = array<i32>} : memref<128x128xf32, #tpu.memory_space<vmem>>, vector<16xf32>,
      }
      %scan3A_718 = arith.constant 128 : i32
      %mul3A_719 = arith.constant 128 : i32
      %mul3A_720 = arith.muli %mul3A_373, %mul3A_719 : i32
      %add3A_721 = arith.addi %mul3A_2, %mul3A_720 : i32
      %dma_start3A_722 = arith.constant 0 : i32
      %dma_start3A_723 = tpu.memref_slice %arg6[%add3A_721, %dma_start3A_722] : memref<204800x128xf32, #tpu.memory_space<hbm>> -> memref<128x128xf32, #tpu.memory_space<hbm>>
      %dma_start3A_724 = arith.constant 0 : i32
      %dma_start3A_725 = tpu.memref_slice %arg6[%add3A_721, %dma_start3A_724] : memref<204800x128xf32, #tpu.memory_space<hbm>> -> memref<128x128xf32, #tpu.memory_space<hbm>>
      tpu.enqueue_dma source(%arg12 : memref<128x128xf32, #tpu.memory_space<vmem>>) target(%dma_start3A_725 : memref<128x128xf32, #tpu.memory_space<hbm>>) target_semaphore(%arg18 : memref<!tpu.dma_semaphore, #tpu.memory_space<semaphore_mem>>)
      %lt3A = arith.constant 24 : i32
      %lt3A_726 = arith.cmpi slt, %scan3A_371, %lt3A : i32
      %convert_element_type3A_727 = arith.extui %lt3A_726 : i1 to i32
      %cond3A_728 = arith.constant 0 : i32
      %cond3A_729 = arith.cmpi ne, %convert_element_type3A_727, %cond3A_728 : i32
      scf.if %cond3A_729 {
        %add3A_757 = arith.constant 2 : i32
        %add3A_758 = arith.addi %mul3A_373, %add3A_757 : i32
        %mul3A_759 = arith.constant 256 : i32
        %mul3A_760 = arith.muli %add3A_758, %mul3A_759 : i32
        %add3A_761 = arith.constant 0 : i32
        %add3A_762 = arith.addi %mul3A_760, %add3A_761 : i32
        %mul3A_763 = arith.constant 2 : i32
        %mul3A_764 = vector.broadcast %mul3A_763 : i32 to vector<16xi32>
        %mul3A_765 = arith.muli %mul3A_764, %iota3A : vector<16xi32>
        %add3A_766 = vector.broadcast %add3A_762 : i32 to vector<16xi32>
        %add3A_767 = arith.addi %add3A_766, %mul3A_765 : vector<16xi32>
        %gather3A_768 = tpu.vector_load_idx %arg7[%add3A_767] : memref<12800xf32, #tpu.memory_space<vmem>>[vector<16xi32>], vector<16xf32>,
        %add3A_769 = arith.constant 1 : i32
        %add3A_770 = vector.broadcast %add3A_769 : i32 to vector<16xi32>
        %add3A_771 = arith.addi %add3A_767, %add3A_770 : vector<16xi32>
        %gather3A_772 = tpu.vector_load_idx %arg7[%add3A_771] : memref<12800xf32, #tpu.memory_space<vmem>>[vector<16xi32>], vector<16xf32>,
        %mul3A_773 = arith.constant 1.024000e+03 : f32
        %mul3A_774 = vector.broadcast %mul3A_773 : f32 to vector<16xf32>
        %mul3A_775 = arith.mulf %gather3A_768, %mul3A_774 : vector<16xf32>
        %convert_element_type3A_776 = arith.fptosi %mul3A_775 : vector<16xf32> to vector<16xi32>
        %jit3A_777 = arith.constant 0 : i32
        %jit3A_778 = arith.constant 1023 : i32
        %max3A_779 = vector.broadcast %jit3A_777 : i32 to vector<16xi32>
        %max3A_780 = arith.maxsi %max3A_779, %convert_element_type3A_776 : vector<16xi32>
        %min3A_781 = vector.broadcast %jit3A_778 : i32 to vector<16xi32>
        %min3A_782 = arith.minsi %min3A_781, %max3A_780 : vector<16xi32>
        %mul3A_783 = arith.constant 1.024000e+03 : f32
        %mul3A_784 = vector.broadcast %mul3A_783 : f32 to vector<16xf32>
        %mul3A_785 = arith.mulf %gather3A_772, %mul3A_784 : vector<16xf32>
        %convert_element_type3A_786 = arith.fptosi %mul3A_785 : vector<16xf32> to vector<16xi32>
        %jit3A_787 = arith.constant 0 : i32
        %jit3A_788 = arith.constant 1023 : i32
        %max3A_789 = vector.broadcast %jit3A_787 : i32 to vector<16xi32>
        %max3A_790 = arith.maxsi %max3A_789, %convert_element_type3A_786 : vector<16xi32>
        %min3A_791 = vector.broadcast %jit3A_788 : i32 to vector<16xi32>
        %min3A_792 = arith.minsi %min3A_791, %max3A_790 : vector<16xi32>
        %mul3A_793 = arith.constant 1024 : i32
        %mul3A_794 = vector.broadcast %mul3A_793 : i32 to vector<16xi32>
        %mul3A_795 = arith.muli %min3A_782, %mul3A_794 : vector<16xi32>
        %add3A_796 = arith.addi %mul3A_795, %min3A_792 : vector<16xi32>
        %swap3A_797 = arith.constant 0 : index
        %swap3A_798 = tpu.vector_load %arg8[%swap3A_797] {strides = array<i32>} : memref<128xi32, #tpu.memory_space<vmem>>, vector<16xi32>,
        tpu.vector_store %arg8[%swap3A_797], %add3A_796 {strides = array<i32>} : memref<128xi32, #tpu.memory_space<vmem>>, vector<16xi32>,
        %mul3A_799 = arith.constant 256 : i32
        %mul3A_800 = arith.muli %add3A_758, %mul3A_799 : i32
        %add3A_801 = arith.constant 32 : i32
        %add3A_802 = arith.addi %mul3A_800, %add3A_801 : i32
        %mul3A_803 = arith.constant 2 : i32
        %mul3A_804 = vector.broadcast %mul3A_803 : i32 to vector<16xi32>
        %mul3A_805 = arith.muli %mul3A_804, %iota3A : vector<16xi32>
        %add3A_806 = vector.broadcast %add3A_802 : i32 to vector<16xi32>
        %add3A_807 = arith.addi %add3A_806, %mul3A_805 : vector<16xi32>
        %gather3A_808 = tpu.vector_load_idx %arg7[%add3A_807] : memref<12800xf32, #tpu.memory_space<vmem>>[vector<16xi32>], vector<16xf32>,
        %add3A_809 = arith.constant 1 : i32
        %add3A_810 = vector.broadcast %add3A_809 : i32 to vector<16xi32>
        %add3A_811 = arith.addi %add3A_807, %add3A_810 : vector<16xi32>
        %gather3A_812 = tpu.vector_load_idx %arg7[%add3A_811] : memref<12800xf32, #tpu.memory_space<vmem>>[vector<16xi32>], vector<16xf32>,
        %mul3A_813 = arith.constant 1.024000e+03 : f32
        %mul3A_814 = vector.broadcast %mul3A_813 : f32 to vector<16xf32>
        %mul3A_815 = arith.mulf %gather3A_808, %mul3A_814 : vector<16xf32>
        %convert_element_type3A_816 = arith.fptosi %mul3A_815 : vector<16xf32> to vector<16xi32>
        %jit3A_817 = arith.constant 0 : i32
        %jit3A_818 = arith.constant 1023 : i32
        %max3A_819 = vector.broadcast %jit3A_817 : i32 to vector<16xi32>
        %max3A_820 = arith.maxsi %max3A_819, %convert_element_type3A_816 : vector<16xi32>
        %min3A_821 = vector.broadcast %jit3A_818 : i32 to vector<16xi32>
        %min3A_822 = arith.minsi %min3A_821, %max3A_820 : vector<16xi32>
        %mul3A_823 = arith.constant 1.024000e+03 : f32
        %mul3A_824 = vector.broadcast %mul3A_823 : f32 to vector<16xf32>
        %mul3A_825 = arith.mulf %gather3A_812, %mul3A_824 : vector<16xf32>
        %convert_element_type3A_826 = arith.fptosi %mul3A_825 : vector<16xf32> to vector<16xi32>
        %jit3A_827 = arith.constant 0 : i32
        %jit3A_828 = arith.constant 1023 : i32
        %max3A_829 = vector.broadcast %jit3A_827 : i32 to vector<16xi32>
        %max3A_830 = arith.maxsi %max3A_829, %convert_element_type3A_826 : vector<16xi32>
        %min3A_831 = vector.broadcast %jit3A_828 : i32 to vector<16xi32>
        %min3A_832 = arith.minsi %min3A_831, %max3A_830 : vector<16xi32>
        %mul3A_833 = arith.constant 1024 : i32
        %mul3A_834 = vector.broadcast %mul3A_833 : i32 to vector<16xi32>
        %mul3A_835 = arith.muli %min3A_822, %mul3A_834 : vector<16xi32>
        %add3A_836 = arith.addi %mul3A_835, %min3A_832 : vector<16xi32>
        %swap3A_837 = arith.constant 16 : index
        %swap3A_838 = tpu.vector_load %arg8[%swap3A_837] {strides = array<i32>} : memref<128xi32, #tpu.memory_space<vmem>>, vector<16xi32>,
        tpu.vector_store %arg8[%swap3A_837], %add3A_836 {strides = array<i32>} : memref<128xi32, #tpu.memory_space<vmem>>, vector<16xi32>,
        %mul3A_839 = arith.constant 256 : i32
        %mul3A_840 = arith.muli %add3A_758, %mul3A_839 : i32
        %add3A_841 = arith.constant 64 : i32
        %add3A_842 = arith.addi %mul3A_840, %add3A_841 : i32
        %mul3A_843 = arith.constant 2 : i32
        %mul3A_844 = vector.broadcast %mul3A_843 : i32 to vector<16xi32>
        %mul3A_845 = arith.muli %mul3A_844, %iota3A : vector<16xi32>
        %add3A_846 = vector.broadcast %add3A_842 : i32 to vector<16xi32>
        %add3A_847 = arith.addi %add3A_846, %mul3A_845 : vector<16xi32>
        %gather3A_848 = tpu.vector_load_idx %arg7[%add3A_847] : memref<12800xf32, #tpu.memory_space<vmem>>[vector<16xi32>], vector<16xf32>,
        %add3A_849 = arith.constant 1 : i32
        %add3A_850 = vector.broadcast %add3A_849 : i32 to vector<16xi32>
        %add3A_851 = arith.addi %add3A_847, %add3A_850 : vector<16xi32>
        %gather3A_852 = tpu.vector_load_idx %arg7[%add3A_851] : memref<12800xf32, #tpu.memory_space<vmem>>[vector<16xi32>], vector<16xf32>,
        %mul3A_853 = arith.constant 1.024000e+03 : f32
        %mul3A_854 = vector.broadcast %mul3A_853 : f32 to vector<16xf32>
        %mul3A_855 = arith.mulf %gather3A_848, %mul3A_854 : vector<16xf32>
        %convert_element_type3A_856 = arith.fptosi %mul3A_855 : vector<16xf32> to vector<16xi32>
        %jit3A_857 = arith.constant 0 : i32
        %jit3A_858 = arith.constant 1023 : i32
        %max3A_859 = vector.broadcast %jit3A_857 : i32 to vector<16xi32>
        %max3A_860 = arith.maxsi %max3A_859, %convert_element_type3A_856 : vector<16xi32>
        %min3A_861 = vector.broadcast %jit3A_858 : i32 to vector<16xi32>
        %min3A_862 = arith.minsi %min3A_861, %max3A_860 : vector<16xi32>
        %mul3A_863 = arith.constant 1.024000e+03 : f32
        %mul3A_864 = vector.broadcast %mul3A_863 : f32 to vector<16xf32>
        %mul3A_865 = arith.mulf %gather3A_852, %mul3A_864 : vector<16xf32>
        %convert_element_type3A_866 = arith.fptosi %mul3A_865 : vector<16xf32> to vector<16xi32>
        %jit3A_867 = arith.constant 0 : i32
        %jit3A_868 = arith.constant 1023 : i32
        %max3A_869 = vector.broadcast %jit3A_867 : i32 to vector<16xi32>
        %max3A_870 = arith.maxsi %max3A_869, %convert_element_type3A_866 : vector<16xi32>
        %min3A_871 = vector.broadcast %jit3A_868 : i32 to vector<16xi32>
        %min3A_872 = arith.minsi %min3A_871, %max3A_870 : vector<16xi32>
        %mul3A_873 = arith.constant 1024 : i32
        %mul3A_874 = vector.broadcast %mul3A_873 : i32 to vector<16xi32>
        %mul3A_875 = arith.muli %min3A_862, %mul3A_874 : vector<16xi32>
        %add3A_876 = arith.addi %mul3A_875, %min3A_872 : vector<16xi32>
        %swap3A_877 = arith.constant 32 : index
        %swap3A_878 = tpu.vector_load %arg8[%swap3A_877] {strides = array<i32>} : memref<128xi32, #tpu.memory_space<vmem>>, vector<16xi32>,
        tpu.vector_store %arg8[%swap3A_877], %add3A_876 {strides = array<i32>} : memref<128xi32, #tpu.memory_space<vmem>>, vector<16xi32>,
        %mul3A_879 = arith.constant 256 : i32
        %mul3A_880 = arith.muli %add3A_758, %mul3A_879 : i32
        %add3A_881 = arith.constant 96 : i32
        %add3A_882 = arith.addi %mul3A_880, %add3A_881 : i32
        %mul3A_883 = arith.constant 2 : i32
        %mul3A_884 = vector.broadcast %mul3A_883 : i32 to vector<16xi32>
        %mul3A_885 = arith.muli %mul3A_884, %iota3A : vector<16xi32>
        %add3A_886 = vector.broadcast %add3A_882 : i32 to vector<16xi32>
        %add3A_887 = arith.addi %add3A_886, %mul3A_885 : vector<16xi32>
        %gather3A_888 = tpu.vector_load_idx %arg7[%add3A_887] : memref<12800xf32, #tpu.memory_space<vmem>>[vector<16xi32>], vector<16xf32>,
        %add3A_889 = arith.constant 1 : i32
        %add3A_890 = vector.broadcast %add3A_889 : i32 to vector<16xi32>
        %add3A_891 = arith.addi %add3A_887, %add3A_890 : vector<16xi32>
        %gather3A_892 = tpu.vector_load_idx %arg7[%add3A_891] : memref<12800xf32, #tpu.memory_space<vmem>>[vector<16xi32>], vector<16xf32>,
        %mul3A_893 = arith.constant 1.024000e+03 : f32
        %mul3A_894 = vector.broadcast %mul3A_893 : f32 to vector<16xf32>
        %mul3A_895 = arith.mulf %gather3A_888, %mul3A_894 : vector<16xf32>
        %convert_element_type3A_896 = arith.fptosi %mul3A_895 : vector<16xf32> to vector<16xi32>
        %jit3A_897 = arith.constant 0 : i32
        %jit3A_898 = arith.constant 1023 : i32
        %max3A_899 = vector.broadcast %jit3A_897 : i32 to vector<16xi32>
        %max3A_900 = arith.maxsi %max3A_899, %convert_element_type3A_896 : vector<16xi32>
        %min3A_901 = vector.broadcast %jit3A_898 : i32 to vector<16xi32>
        %min3A_902 = arith.minsi %min3A_901, %max3A_900 : vector<16xi32>
        %mul3A_903 = arith.constant 1.024000e+03 : f32
        %mul3A_904 = vector.broadcast %mul3A_903 : f32 to vector<16xf32>
        %mul3A_905 = arith.mulf %gather3A_892, %mul3A_904 : vector<16xf32>
        %convert_element_type3A_906 = arith.fptosi %mul3A_905 : vector<16xf32> to vector<16xi32>
        %jit3A_907 = arith.constant 0 : i32
        %jit3A_908 = arith.constant 1023 : i32
        %max3A_909 = vector.broadcast %jit3A_907 : i32 to vector<16xi32>
        %max3A_910 = arith.maxsi %max3A_909, %convert_element_type3A_906 : vector<16xi32>
        %min3A_911 = vector.broadcast %jit3A_908 : i32 to vector<16xi32>
        %min3A_912 = arith.minsi %min3A_911, %max3A_910 : vector<16xi32>
        %mul3A_913 = arith.constant 1024 : i32
        %mul3A_914 = vector.broadcast %mul3A_913 : i32 to vector<16xi32>
        %mul3A_915 = arith.muli %min3A_902, %mul3A_914 : vector<16xi32>
        %add3A_916 = arith.addi %mul3A_915, %min3A_912 : vector<16xi32>
        %swap3A_917 = arith.constant 48 : index
        %swap3A_918 = tpu.vector_load %arg8[%swap3A_917] {strides = array<i32>} : memref<128xi32, #tpu.memory_space<vmem>>, vector<16xi32>,
        tpu.vector_store %arg8[%swap3A_917], %add3A_916 {strides = array<i32>} : memref<128xi32, #tpu.memory_space<vmem>>, vector<16xi32>,
        %mul3A_919 = arith.constant 256 : i32
        %mul3A_920 = arith.muli %add3A_758, %mul3A_919 : i32
        %add3A_921 = arith.constant 128 : i32
        %add3A_922 = arith.addi %mul3A_920, %add3A_921 : i32
        %mul3A_923 = arith.constant 2 : i32
        %mul3A_924 = vector.broadcast %mul3A_923 : i32 to vector<16xi32>
        %mul3A_925 = arith.muli %mul3A_924, %iota3A : vector<16xi32>
        %add3A_926 = vector.broadcast %add3A_922 : i32 to vector<16xi32>
        %add3A_927 = arith.addi %add3A_926, %mul3A_925 : vector<16xi32>
        %gather3A_928 = tpu.vector_load_idx %arg7[%add3A_927] : memref<12800xf32, #tpu.memory_space<vmem>>[vector<16xi32>], vector<16xf32>,
        %add3A_929 = arith.constant 1 : i32
        %add3A_930 = vector.broadcast %add3A_929 : i32 to vector<16xi32>
        %add3A_931 = arith.addi %add3A_927, %add3A_930 : vector<16xi32>
        %gather3A_932 = tpu.vector_load_idx %arg7[%add3A_931] : memref<12800xf32, #tpu.memory_space<vmem>>[vector<16xi32>], vector<16xf32>,
        %mul3A_933 = arith.constant 1.024000e+03 : f32
        %mul3A_934 = vector.broadcast %mul3A_933 : f32 to vector<16xf32>
        %mul3A_935 = arith.mulf %gather3A_928, %mul3A_934 : vector<16xf32>
        %convert_element_type3A_936 = arith.fptosi %mul3A_935 : vector<16xf32> to vector<16xi32>
        %jit3A_937 = arith.constant 0 : i32
        %jit3A_938 = arith.constant 1023 : i32
        %max3A_939 = vector.broadcast %jit3A_937 : i32 to vector<16xi32>
        %max3A_940 = arith.maxsi %max3A_939, %convert_element_type3A_936 : vector<16xi32>
        %min3A_941 = vector.broadcast %jit3A_938 : i32 to vector<16xi32>
        %min3A_942 = arith.minsi %min3A_941, %max3A_940 : vector<16xi32>
        %mul3A_943 = arith.constant 1.024000e+03 : f32
        %mul3A_944 = vector.broadcast %mul3A_943 : f32 to vector<16xf32>
        %mul3A_945 = arith.mulf %gather3A_932, %mul3A_944 : vector<16xf32>
        %convert_element_type3A_946 = arith.fptosi %mul3A_945 : vector<16xf32> to vector<16xi32>
        %jit3A_947 = arith.constant 0 : i32
        %jit3A_948 = arith.constant 1023 : i32
        %max3A_949 = vector.broadcast %jit3A_947 : i32 to vector<16xi32>
        %max3A_950 = arith.maxsi %max3A_949, %convert_element_type3A_946 : vector<16xi32>
        %min3A_951 = vector.broadcast %jit3A_948 : i32 to vector<16xi32>
        %min3A_952 = arith.minsi %min3A_951, %max3A_950 : vector<16xi32>
        %mul3A_953 = arith.constant 1024 : i32
        %mul3A_954 = vector.broadcast %mul3A_953 : i32 to vector<16xi32>
        %mul3A_955 = arith.muli %min3A_942, %mul3A_954 : vector<16xi32>
        %add3A_956 = arith.addi %mul3A_955, %min3A_952 : vector<16xi32>
        %swap3A_957 = arith.constant 64 : index
        %swap3A_958 = tpu.vector_load %arg8[%swap3A_957] {strides = array<i32>} : memref<128xi32, #tpu.memory_space<vmem>>, vector<16xi32>,
        tpu.vector_store %arg8[%swap3A_957], %add3A_956 {strides = array<i32>} : memref<128xi32, #tpu.memory_space<vmem>>, vector<16xi32>,
        %mul3A_959 = arith.constant 256 : i32
        %mul3A_960 = arith.muli %add3A_758, %mul3A_959 : i32
        %add3A_961 = arith.constant 160 : i32
        %add3A_962 = arith.addi %mul3A_960, %add3A_961 : i32
        %mul3A_963 = arith.constant 2 : i32
        %mul3A_964 = vector.broadcast %mul3A_963 : i32 to vector<16xi32>
        %mul3A_965 = arith.muli %mul3A_964, %iota3A : vector<16xi32>
        %add3A_966 = vector.broadcast %add3A_962 : i32 to vector<16xi32>
        %add3A_967 = arith.addi %add3A_966, %mul3A_965 : vector<16xi32>
        %gather3A_968 = tpu.vector_load_idx %arg7[%add3A_967] : memref<12800xf32, #tpu.memory_space<vmem>>[vector<16xi32>], vector<16xf32>,
        %add3A_969 = arith.constant 1 : i32
        %add3A_970 = vector.broadcast %add3A_969 : i32 to vector<16xi32>
        %add3A_971 = arith.addi %add3A_967, %add3A_970 : vector<16xi32>
        %gather3A_972 = tpu.vector_load_idx %arg7[%add3A_971] : memref<12800xf32, #tpu.memory_space<vmem>>[vector<16xi32>], vector<16xf32>,
        %mul3A_973 = arith.constant 1.024000e+03 : f32
        %mul3A_974 = vector.broadcast %mul3A_973 : f32 to vector<16xf32>
        %mul3A_975 = arith.mulf %gather3A_968, %mul3A_974 : vector<16xf32>
        %convert_element_type3A_976 = arith.fptosi %mul3A_975 : vector<16xf32> to vector<16xi32>
        %jit3A_977 = arith.constant 0 : i32
        %jit3A_978 = arith.constant 1023 : i32
        %max3A_979 = vector.broadcast %jit3A_977 : i32 to vector<16xi32>
        %max3A_980 = arith.maxsi %max3A_979, %convert_element_type3A_976 : vector<16xi32>
        %min3A_981 = vector.broadcast %jit3A_978 : i32 to vector<16xi32>
        %min3A_982 = arith.minsi %min3A_981, %max3A_980 : vector<16xi32>
        %mul3A_983 = arith.constant 1.024000e+03 : f32
        %mul3A_984 = vector.broadcast %mul3A_983 : f32 to vector<16xf32>
        %mul3A_985 = arith.mulf %gather3A_972, %mul3A_984 : vector<16xf32>
        %convert_element_type3A_986 = arith.fptosi %mul3A_985 : vector<16xf32> to vector<16xi32>
        %jit3A_987 = arith.constant 0 : i32
        %jit3A_988 = arith.constant 1023 : i32
        %max3A_989 = vector.broadcast %jit3A_987 : i32 to vector<16xi32>
        %max3A_990 = arith.maxsi %max3A_989, %convert_element_type3A_986 : vector<16xi32>
        %min3A_991 = vector.broadcast %jit3A_988 : i32 to vector<16xi32>
        %min3A_992 = arith.minsi %min3A_991, %max3A_990 : vector<16xi32>
        %mul3A_993 = arith.constant 1024 : i32
        %mul3A_994 = vector.broadcast %mul3A_993 : i32 to vector<16xi32>
        %mul3A_995 = arith.muli %min3A_982, %mul3A_994 : vector<16xi32>
        %add3A_996 = arith.addi %mul3A_995, %min3A_992 : vector<16xi32>
        %swap3A_997 = arith.constant 80 : index
        %swap3A_998 = tpu.vector_load %arg8[%swap3A_997] {strides = array<i32>} : memref<128xi32, #tpu.memory_space<vmem>>, vector<16xi32>,
        tpu.vector_store %arg8[%swap3A_997], %add3A_996 {strides = array<i32>} : memref<128xi32, #tpu.memory_space<vmem>>, vector<16xi32>,
        %mul3A_999 = arith.constant 256 : i32
        %mul3A_1000 = arith.muli %add3A_758, %mul3A_999 : i32
        %add3A_1001 = arith.constant 192 : i32
        %add3A_1002 = arith.addi %mul3A_1000, %add3A_1001 : i32
        %mul3A_1003 = arith.constant 2 : i32
        %mul3A_1004 = vector.broadcast %mul3A_1003 : i32 to vector<16xi32>
        %mul3A_1005 = arith.muli %mul3A_1004, %iota3A : vector<16xi32>
        %add3A_1006 = vector.broadcast %add3A_1002 : i32 to vector<16xi32>
        %add3A_1007 = arith.addi %add3A_1006, %mul3A_1005 : vector<16xi32>
        %gather3A_1008 = tpu.vector_load_idx %arg7[%add3A_1007] : memref<12800xf32, #tpu.memory_space<vmem>>[vector<16xi32>], vector<16xf32>,
        %add3A_1009 = arith.constant 1 : i32
        %add3A_1010 = vector.broadcast %add3A_1009 : i32 to vector<16xi32>
        %add3A_1011 = arith.addi %add3A_1007, %add3A_1010 : vector<16xi32>
        %gather3A_1012 = tpu.vector_load_idx %arg7[%add3A_1011] : memref<12800xf32, #tpu.memory_space<vmem>>[vector<16xi32>], vector<16xf32>,
        %mul3A_1013 = arith.constant 1.024000e+03 : f32
        %mul3A_1014 = vector.broadcast %mul3A_1013 : f32 to vector<16xf32>
        %mul3A_1015 = arith.mulf %gather3A_1008, %mul3A_1014 : vector<16xf32>
        %convert_element_type3A_1016 = arith.fptosi %mul3A_1015 : vector<16xf32> to vector<16xi32>
        %jit3A_1017 = arith.constant 0 : i32
        %jit3A_1018 = arith.constant 1023 : i32
        %max3A_1019 = vector.broadcast %jit3A_1017 : i32 to vector<16xi32>
        %max3A_1020 = arith.maxsi %max3A_1019, %convert_element_type3A_1016 : vector<16xi32>
        %min3A_1021 = vector.broadcast %jit3A_1018 : i32 to vector<16xi32>
        %min3A_1022 = arith.minsi %min3A_1021, %max3A_1020 : vector<16xi32>
        %mul3A_1023 = arith.constant 1.024000e+03 : f32
        %mul3A_1024 = vector.broadcast %mul3A_1023 : f32 to vector<16xf32>
        %mul3A_1025 = arith.mulf %gather3A_1012, %mul3A_1024 : vector<16xf32>
        %convert_element_type3A_1026 = arith.fptosi %mul3A_1025 : vector<16xf32> to vector<16xi32>
        %jit3A_1027 = arith.constant 0 : i32
        %jit3A_1028 = arith.constant 1023 : i32
        %max3A_1029 = vector.broadcast %jit3A_1027 : i32 to vector<16xi32>
        %max3A_1030 = arith.maxsi %max3A_1029, %convert_element_type3A_1026 : vector<16xi32>
        %min3A_1031 = vector.broadcast %jit3A_1028 : i32 to vector<16xi32>
        %min3A_1032 = arith.minsi %min3A_1031, %max3A_1030 : vector<16xi32>
        %mul3A_1033 = arith.constant 1024 : i32
        %mul3A_1034 = vector.broadcast %mul3A_1033 : i32 to vector<16xi32>
        %mul3A_1035 = arith.muli %min3A_1022, %mul3A_1034 : vector<16xi32>
        %add3A_1036 = arith.addi %mul3A_1035, %min3A_1032 : vector<16xi32>
        %swap3A_1037 = arith.constant 96 : index
        %swap3A_1038 = tpu.vector_load %arg8[%swap3A_1037] {strides = array<i32>} : memref<128xi32, #tpu.memory_space<vmem>>, vector<16xi32>,
        tpu.vector_store %arg8[%swap3A_1037], %add3A_1036 {strides = array<i32>} : memref<128xi32, #tpu.memory_space<vmem>>, vector<16xi32>,
        %mul3A_1039 = arith.constant 256 : i32
        %mul3A_1040 = arith.muli %add3A_758, %mul3A_1039 : i32
        %add3A_1041 = arith.constant 224 : i32
        %add3A_1042 = arith.addi %mul3A_1040, %add3A_1041 : i32
        %mul3A_1043 = arith.constant 2 : i32
        %mul3A_1044 = vector.broadcast %mul3A_1043 : i32 to vector<16xi32>
        %mul3A_1045 = arith.muli %mul3A_1044, %iota3A : vector<16xi32>
        %add3A_1046 = vector.broadcast %add3A_1042 : i32 to vector<16xi32>
        %add3A_1047 = arith.addi %add3A_1046, %mul3A_1045 : vector<16xi32>
        %gather3A_1048 = tpu.vector_load_idx %arg7[%add3A_1047] : memref<12800xf32, #tpu.memory_space<vmem>>[vector<16xi32>], vector<16xf32>,
        %add3A_1049 = arith.constant 1 : i32
        %add3A_1050 = vector.broadcast %add3A_1049 : i32 to vector<16xi32>
        %add3A_1051 = arith.addi %add3A_1047, %add3A_1050 : vector<16xi32>
        %gather3A_1052 = tpu.vector_load_idx %arg7[%add3A_1051] : memref<12800xf32, #tpu.memory_space<vmem>>[vector<16xi32>], vector<16xf32>,
        %mul3A_1053 = arith.constant 1.024000e+03 : f32
        %mul3A_1054 = vector.broadcast %mul3A_1053 : f32 to vector<16xf32>
        %mul3A_1055 = arith.mulf %gather3A_1048, %mul3A_1054 : vector<16xf32>
        %convert_element_type3A_1056 = arith.fptosi %mul3A_1055 : vector<16xf32> to vector<16xi32>
        %jit3A_1057 = arith.constant 0 : i32
        %jit3A_1058 = arith.constant 1023 : i32
        %max3A_1059 = vector.broadcast %jit3A_1057 : i32 to vector<16xi32>
        %max3A_1060 = arith.maxsi %max3A_1059, %convert_element_type3A_1056 : vector<16xi32>
        %min3A_1061 = vector.broadcast %jit3A_1058 : i32 to vector<16xi32>
        %min3A_1062 = arith.minsi %min3A_1061, %max3A_1060 : vector<16xi32>
        %mul3A_1063 = arith.constant 1.024000e+03 : f32
        %mul3A_1064 = vector.broadcast %mul3A_1063 : f32 to vector<16xf32>
        %mul3A_1065 = arith.mulf %gather3A_1052, %mul3A_1064 : vector<16xf32>
        %convert_element_type3A_1066 = arith.fptosi %mul3A_1065 : vector<16xf32> to vector<16xi32>
        %jit3A_1067 = arith.constant 0 : i32
        %jit3A_1068 = arith.constant 1023 : i32
        %max3A_1069 = vector.broadcast %jit3A_1067 : i32 to vector<16xi32>
        %max3A_1070 = arith.maxsi %max3A_1069, %convert_element_type3A_1066 : vector<16xi32>
        %min3A_1071 = vector.broadcast %jit3A_1068 : i32 to vector<16xi32>
        %min3A_1072 = arith.minsi %min3A_1071, %max3A_1070 : vector<16xi32>
        %mul3A_1073 = arith.constant 1024 : i32
        %mul3A_1074 = vector.broadcast %mul3A_1073 : i32 to vector<16xi32>
        %mul3A_1075 = arith.muli %min3A_1062, %mul3A_1074 : vector<16xi32>
        %add3A_1076 = arith.addi %mul3A_1075, %min3A_1072 : vector<16xi32>
        %swap3A_1077 = arith.constant 112 : index
        %swap3A_1078 = tpu.vector_load %arg8[%swap3A_1077] {strides = array<i32>} : memref<128xi32, #tpu.memory_space<vmem>>, vector<16xi32>,
        tpu.vector_store %arg8[%swap3A_1077], %add3A_1076 {strides = array<i32>} : memref<128xi32, #tpu.memory_space<vmem>>, vector<16xi32>,
        %dma_start3A_1079 = arith.constant 0 : i32
        %dma_start3A_1080 = arith.constant 0 : i32
        %dma_start3A_1081 = tpu.memref_slice %arg5[%dma_start3A_1079, %dma_start3A_1080] : memref<1048576x128xf32, #tpu.memory_space<hbm>> -> memref<1048576x128xf32, #tpu.memory_space<hbm>>
        tpu.enqueue_indirect_dma source(%dma_start3A_1081 : memref<1048576x128xf32, #tpu.memory_space<hbm>>) target(%arg10 : memref<128x128xf32, #tpu.memory_space<vmem>>) offsets(%arg8 : memref<128xi32, #tpu.memory_space<vmem>>) semaphore(%arg16 : memref<!tpu.dma_semaphore, #tpu.memory_space<semaphore_mem>>)
      } else {
      }
      %gt3A_730 = arith.constant 0 : i32
      %gt3A_731 = arith.cmpi sgt, %scan3A_371, %gt3A_730 : i32
      %convert_element_type3A_732 = arith.extui %gt3A_731 : i1 to i32
      %cond3A_733 = arith.constant 0 : i32
      %cond3A_734 = arith.cmpi ne, %convert_element_type3A_732, %cond3A_733 : i32
      scf.if %cond3A_734 {
        %mul3A_757 = arith.constant 128 : i32
        %mul3A_758 = arith.muli %add3A_377, %mul3A_757 : i32
        %add3A_759 = arith.addi %mul3A_2, %mul3A_758 : i32
        %dma_wait3A_760 = arith.constant 0 : i32
        %dma_wait3A_761 = tpu.memref_slice %arg6[%add3A_759, %dma_wait3A_760] : memref<204800x128xf32, #tpu.memory_space<hbm>> -> memref<128x128xf32, #tpu.memory_space<hbm>>
        %dma_wait3A_762 = arith.constant 0 : i32
        %dma_wait3A_763 = tpu.memref_slice %arg6[%add3A_759, %dma_wait3A_762] : memref<204800x128xf32, #tpu.memory_space<hbm>> -> memref<128x128xf32, #tpu.memory_space<hbm>>
        tpu.wait_dma2 semaphore(%arg19 : memref<!tpu.dma_semaphore, #tpu.memory_space<semaphore_mem>>) src(%arg13 : memref<128x128xf32, #tpu.memory_space<vmem>>) dst(%dma_wait3A_763 : memref<128x128xf32, #tpu.memory_space<hbm>>)
      } else {
      }
      %mul3A_735 = arith.constant 256 : i32
      %mul3A_736 = arith.muli %add3A_377, %mul3A_735 : i32
      %scan3A_737 = arith.constant 0 : i32
      %scan3A_738 = arith.constant 128 : i32
      %scan3A_739 = arith.addi %scan3A_737, %scan3A_738 : i32
      %scan3A_740 = arith.constant 2 : i32
      scf.for %scan3A_757 = %scan3A_737 to %scan3A_739 step %scan3A_740  : i32 {
        %mul3A_758 = arith.constant 2 : i32
        %mul3A_759 = arith.muli %mul3A_758, %scan3A_757 : i32
        %add3A_760 = arith.addi %mul3A_736, %mul3A_759 : i32
        %broadcast_in_dim3A = vector.broadcast %add3A_760 : i32 to vector<16xi32>
        %gather3A_761 = tpu.vector_load_idx %arg7[%broadcast_in_dim3A] : memref<12800xf32, #tpu.memory_space<vmem>>[vector<16xi32>], vector<16xf32>,
        %mul3A_762 = arith.constant 2 : i32
        %mul3A_763 = arith.muli %mul3A_762, %scan3A_757 : i32
        %add3A_764 = arith.addi %mul3A_736, %mul3A_763 : i32
        %add3A_765 = arith.constant 1 : i32
        %add3A_766 = arith.addi %add3A_764, %add3A_765 : i32
        %broadcast_in_dim3A_767 = vector.broadcast %add3A_766 : i32 to vector<16xi32>
        %gather3A_768 = tpu.vector_load_idx %arg7[%broadcast_in_dim3A_767] : memref<12800xf32, #tpu.memory_space<vmem>>[vector<16xi32>], vector<16xf32>,
        %mul3A_769 = arith.mulf %gather3A_761, %get3A_5 : vector<16xf32>
        %mul3A_770 = arith.mulf %gather3A_768, %get3A_13 : vector<16xf32>
        %add3A_771 = arith.addf %mul3A_769, %mul3A_770 : vector<16xf32>
        %add3A_772 = arith.addf %add3A_771, %get3A_21 : vector<16xf32>
        %swap3A_773 = arith.index_cast %scan3A_757 : i32 to index
        %swap3A_774 = arith.constant 0 : index
        %swap3A_775 = tpu.vector_load %arg13[%swap3A_773, %swap3A_774] {strides = array<i32>} : memref<128x128xf32, #tpu.memory_space<vmem>>, vector<16xf32>,
        tpu.vector_store %arg13[%swap3A_773, %swap3A_774], %add3A_772 {strides = array<i32>} : memref<128x128xf32, #tpu.memory_space<vmem>>, vector<16xf32>,
        %mul3A_776 = arith.mulf %gather3A_761, %get3A_7 : vector<16xf32>
        %mul3A_777 = arith.mulf %gather3A_768, %get3A_15 : vector<16xf32>
        %add3A_778 = arith.addf %mul3A_776, %mul3A_777 : vector<16xf32>
        %add3A_779 = arith.addf %add3A_778, %get3A_23 : vector<16xf32>
        %swap3A_780 = arith.index_cast %scan3A_757 : i32 to index
        %swap3A_781 = arith.constant 16 : index
        %swap3A_782 = tpu.vector_load %arg13[%swap3A_780, %swap3A_781] {strides = array<i32>} : memref<128x128xf32, #tpu.memory_space<vmem>>, vector<16xf32>,
        tpu.vector_store %arg13[%swap3A_780, %swap3A_781], %add3A_779 {strides = array<i32>} : memref<128x128xf32, #tpu.memory_space<vmem>>, vector<16xf32>,
        %mul3A_783 = arith.mulf %gather3A_761, %get3A_9 : vector<16xf32>
        %mul3A_784 = arith.mulf %gather3A_768, %get3A_17 : vector<16xf32>
        %add3A_785 = arith.addf %mul3A_783, %mul3A_784 : vector<16xf32>
        %add3A_786 = arith.addf %add3A_785, %get3A_25 : vector<16xf32>
        %swap3A_787 = arith.index_cast %scan3A_757 : i32 to index
        %swap3A_788 = arith.constant 32 : index
        %swap3A_789 = tpu.vector_load %arg13[%swap3A_787, %swap3A_788] {strides = array<i32>} : memref<128x128xf32, #tpu.memory_space<vmem>>, vector<16xf32>,
        tpu.vector_store %arg13[%swap3A_787, %swap3A_788], %add3A_786 {strides = array<i32>} : memref<128x128xf32, #tpu.memory_space<vmem>>, vector<16xf32>,
        %mul3A_790 = arith.mulf %gather3A_761, %get3A_11 : vector<16xf32>
        %mul3A_791 = arith.mulf %gather3A_768, %get3A_19 : vector<16xf32>
        %add3A_792 = arith.addf %mul3A_790, %mul3A_791 : vector<16xf32>
        %add3A_793 = arith.addf %add3A_792, %get3A_27 : vector<16xf32>
        %swap3A_794 = arith.index_cast %scan3A_757 : i32 to index
        %swap3A_795 = arith.constant 48 : index
        %swap3A_796 = tpu.vector_load %arg13[%swap3A_794, %swap3A_795] {strides = array<i32>} : memref<128x128xf32, #tpu.memory_space<vmem>>, vector<16xf32>,
        tpu.vector_store %arg13[%swap3A_794, %swap3A_795], %add3A_793 {strides = array<i32>} : memref<128x128xf32, #tpu.memory_space<vmem>>, vector<16xf32>,
        %scan3A_797 = arith.constant 1 : i32
        %scan3A_798 = arith.addi %scan3A_757, %scan3A_797 : i32
        %mul3A_799 = arith.constant 2 : i32
        %mul3A_800 = arith.muli %mul3A_799, %scan3A_798 : i32
        %add3A_801 = arith.addi %mul3A_736, %mul3A_800 : i32
        %broadcast_in_dim3A_802 = vector.broadcast %add3A_801 : i32 to vector<16xi32>
        %gather3A_803 = tpu.vector_load_idx %arg7[%broadcast_in_dim3A_802] : memref<12800xf32, #tpu.memory_space<vmem>>[vector<16xi32>], vector<16xf32>,
        %mul3A_804 = arith.constant 2 : i32
        %mul3A_805 = arith.muli %mul3A_804, %scan3A_798 : i32
        %add3A_806 = arith.addi %mul3A_736, %mul3A_805 : i32
        %add3A_807 = arith.constant 1 : i32
        %add3A_808 = arith.addi %add3A_806, %add3A_807 : i32
        %broadcast_in_dim3A_809 = vector.broadcast %add3A_808 : i32 to vector<16xi32>
        %gather3A_810 = tpu.vector_load_idx %arg7[%broadcast_in_dim3A_809] : memref<12800xf32, #tpu.memory_space<vmem>>[vector<16xi32>], vector<16xf32>,
        %mul3A_811 = arith.mulf %gather3A_803, %get3A_5 : vector<16xf32>
        %mul3A_812 = arith.mulf %gather3A_810, %get3A_13 : vector<16xf32>
        %add3A_813 = arith.addf %mul3A_811, %mul3A_812 : vector<16xf32>
        %add3A_814 = arith.addf %add3A_813, %get3A_21 : vector<16xf32>
        %swap3A_815 = arith.index_cast %scan3A_798 : i32 to index
        %swap3A_816 = arith.constant 0 : index
        %swap3A_817 = tpu.vector_load %arg13[%swap3A_815, %swap3A_816] {strides = array<i32>} : memref<128x128xf32, #tpu.memory_space<vmem>>, vector<16xf32>,
        tpu.vector_store %arg13[%swap3A_815, %swap3A_816], %add3A_814 {strides = array<i32>} : memref<128x128xf32, #tpu.memory_space<vmem>>, vector<16xf32>,
        %mul3A_818 = arith.mulf %gather3A_803, %get3A_7 : vector<16xf32>
        %mul3A_819 = arith.mulf %gather3A_810, %get3A_15 : vector<16xf32>
        %add3A_820 = arith.addf %mul3A_818, %mul3A_819 : vector<16xf32>
        %add3A_821 = arith.addf %add3A_820, %get3A_23 : vector<16xf32>
        %swap3A_822 = arith.index_cast %scan3A_798 : i32 to index
        %swap3A_823 = arith.constant 16 : index
        %swap3A_824 = tpu.vector_load %arg13[%swap3A_822, %swap3A_823] {strides = array<i32>} : memref<128x128xf32, #tpu.memory_space<vmem>>, vector<16xf32>,
        tpu.vector_store %arg13[%swap3A_822, %swap3A_823], %add3A_821 {strides = array<i32>} : memref<128x128xf32, #tpu.memory_space<vmem>>, vector<16xf32>,
        %mul3A_825 = arith.mulf %gather3A_803, %get3A_9 : vector<16xf32>
        %mul3A_826 = arith.mulf %gather3A_810, %get3A_17 : vector<16xf32>
        %add3A_827 = arith.addf %mul3A_825, %mul3A_826 : vector<16xf32>
        %add3A_828 = arith.addf %add3A_827, %get3A_25 : vector<16xf32>
        %swap3A_829 = arith.index_cast %scan3A_798 : i32 to index
        %swap3A_830 = arith.constant 32 : index
        %swap3A_831 = tpu.vector_load %arg13[%swap3A_829, %swap3A_830] {strides = array<i32>} : memref<128x128xf32, #tpu.memory_space<vmem>>, vector<16xf32>,
        tpu.vector_store %arg13[%swap3A_829, %swap3A_830], %add3A_828 {strides = array<i32>} : memref<128x128xf32, #tpu.memory_space<vmem>>, vector<16xf32>,
        %mul3A_832 = arith.mulf %gather3A_803, %get3A_11 : vector<16xf32>
        %mul3A_833 = arith.mulf %gather3A_810, %get3A_19 : vector<16xf32>
        %add3A_834 = arith.addf %mul3A_832, %mul3A_833 : vector<16xf32>
        %add3A_835 = arith.addf %add3A_834, %get3A_27 : vector<16xf32>
        %swap3A_836 = arith.index_cast %scan3A_798 : i32 to index
        %swap3A_837 = arith.constant 48 : index
        %swap3A_838 = tpu.vector_load %arg13[%swap3A_836, %swap3A_837] {strides = array<i32>} : memref<128x128xf32, #tpu.memory_space<vmem>>, vector<16xf32>,
        tpu.vector_store %arg13[%swap3A_836, %swap3A_837], %add3A_835 {strides = array<i32>} : memref<128x128xf32, #tpu.memory_space<vmem>>, vector<16xf32>,
      }
      %scan3A_741 = arith.constant 128 : i32
      %dma_wait3A_742 = arith.constant 0 : i32
      %dma_wait3A_743 = arith.constant 0 : i32
      %dma_wait3A_744 = tpu.memref_slice %arg5[%dma_wait3A_742, %dma_wait3A_743] : memref<1048576x128xf32, #tpu.memory_space<hbm>> -> memref<1048576x128xf32, #tpu.memory_space<hbm>>
      tpu.wait_indirect_dma semaphore(%arg17 : memref<!tpu.dma_semaphore, #tpu.memory_space<semaphore_mem>>) src(%dma_wait3A_744 : memref<1048576x128xf32, #tpu.memory_space<hbm>>) dst(%arg11 : memref<128x128xf32, #tpu.memory_space<vmem>>)
      %scan3A_745 = arith.constant 0 : i32
      %scan3A_746 = arith.constant 128 : i32
      %scan3A_747 = arith.addi %scan3A_745, %scan3A_746 : i32
      %scan3A_748 = arith.constant 2 : i32
      scf.for %scan3A_757 = %scan3A_745 to %scan3A_747 step %scan3A_748  : i32 {
        %get3A_758 = arith.index_cast %scan3A_757 : i32 to index
        %get3A_759 = arith.constant 0 : index
        %get3A_760 = tpu.vector_load %arg11[%get3A_758, %get3A_759] {strides = array<i32>} : memref<128x128xf32, #tpu.memory_space<vmem>>, vector<16xf32>,
        %swap3A_761 = arith.index_cast %scan3A_757 : i32 to index
        %swap3A_762 = arith.constant 64 : index
        %swap3A_763 = tpu.vector_load %arg13[%swap3A_761, %swap3A_762] {strides = array<i32>} : memref<128x128xf32, #tpu.memory_space<vmem>>, vector<16xf32>,
        tpu.vector_store %arg13[%swap3A_761, %swap3A_762], %get3A_760 {strides = array<i32>} : memref<128x128xf32, #tpu.memory_space<vmem>>, vector<16xf32>,
        %get3A_764 = arith.index_cast %scan3A_757 : i32 to index
        %get3A_765 = arith.constant 16 : index
        %get3A_766 = tpu.vector_load %arg11[%get3A_764, %get3A_765] {strides = array<i32>} : memref<128x128xf32, #tpu.memory_space<vmem>>, vector<16xf32>,
        %swap3A_767 = arith.index_cast %scan3A_757 : i32 to index
        %swap3A_768 = arith.constant 80 : index
        %swap3A_769 = tpu.vector_load %arg13[%swap3A_767, %swap3A_768] {strides = array<i32>} : memref<128x128xf32, #tpu.memory_space<vmem>>, vector<16xf32>,
        tpu.vector_store %arg13[%swap3A_767, %swap3A_768], %get3A_766 {strides = array<i32>} : memref<128x128xf32, #tpu.memory_space<vmem>>, vector<16xf32>,
        %get3A_770 = arith.index_cast %scan3A_757 : i32 to index
        %get3A_771 = arith.constant 32 : index
        %get3A_772 = tpu.vector_load %arg11[%get3A_770, %get3A_771] {strides = array<i32>} : memref<128x128xf32, #tpu.memory_space<vmem>>, vector<16xf32>,
        %swap3A_773 = arith.index_cast %scan3A_757 : i32 to index
        %swap3A_774 = arith.constant 96 : index
        %swap3A_775 = tpu.vector_load %arg13[%swap3A_773, %swap3A_774] {strides = array<i32>} : memref<128x128xf32, #tpu.memory_space<vmem>>, vector<16xf32>,
        tpu.vector_store %arg13[%swap3A_773, %swap3A_774], %get3A_772 {strides = array<i32>} : memref<128x128xf32, #tpu.memory_space<vmem>>, vector<16xf32>,
        %get3A_776 = arith.index_cast %scan3A_757 : i32 to index
        %get3A_777 = arith.constant 48 : index
        %get3A_778 = tpu.vector_load %arg11[%get3A_776, %get3A_777] {strides = array<i32>} : memref<128x128xf32, #tpu.memory_space<vmem>>, vector<16xf32>,
        %swap3A_779 = arith.index_cast %scan3A_757 : i32 to index
        %swap3A_780 = arith.constant 112 : index
        %swap3A_781 = tpu.vector_load %arg13[%swap3A_779, %swap3A_780] {strides = array<i32>} : memref<128x128xf32, #tpu.memory_space<vmem>>, vector<16xf32>,
        tpu.vector_store %arg13[%swap3A_779, %swap3A_780], %get3A_778 {strides = array<i32>} : memref<128x128xf32, #tpu.memory_space<vmem>>, vector<16xf32>,
        %scan3A_782 = arith.constant 1 : i32
        %scan3A_783 = arith.addi %scan3A_757, %scan3A_782 : i32
        %get3A_784 = arith.index_cast %scan3A_783 : i32 to index
        %get3A_785 = arith.constant 0 : index
        %get3A_786 = tpu.vector_load %arg11[%get3A_784, %get3A_785] {strides = array<i32>} : memref<128x128xf32, #tpu.memory_space<vmem>>, vector<16xf32>,
        %swap3A_787 = arith.index_cast %scan3A_783 : i32 to index
        %swap3A_788 = arith.constant 64 : index
        %swap3A_789 = tpu.vector_load %arg13[%swap3A_787, %swap3A_788] {strides = array<i32>} : memref<128x128xf32, #tpu.memory_space<vmem>>, vector<16xf32>,
        tpu.vector_store %arg13[%swap3A_787, %swap3A_788], %get3A_786 {strides = array<i32>} : memref<128x128xf32, #tpu.memory_space<vmem>>, vector<16xf32>,
        %get3A_790 = arith.index_cast %scan3A_783 : i32 to index
        %get3A_791 = arith.constant 16 : index
        %get3A_792 = tpu.vector_load %arg11[%get3A_790, %get3A_791] {strides = array<i32>} : memref<128x128xf32, #tpu.memory_space<vmem>>, vector<16xf32>,
        %swap3A_793 = arith.index_cast %scan3A_783 : i32 to index
        %swap3A_794 = arith.constant 80 : index
        %swap3A_795 = tpu.vector_load %arg13[%swap3A_793, %swap3A_794] {strides = array<i32>} : memref<128x128xf32, #tpu.memory_space<vmem>>, vector<16xf32>,
        tpu.vector_store %arg13[%swap3A_793, %swap3A_794], %get3A_792 {strides = array<i32>} : memref<128x128xf32, #tpu.memory_space<vmem>>, vector<16xf32>,
        %get3A_796 = arith.index_cast %scan3A_783 : i32 to index
        %get3A_797 = arith.constant 32 : index
        %get3A_798 = tpu.vector_load %arg11[%get3A_796, %get3A_797] {strides = array<i32>} : memref<128x128xf32, #tpu.memory_space<vmem>>, vector<16xf32>,
        %swap3A_799 = arith.index_cast %scan3A_783 : i32 to index
        %swap3A_800 = arith.constant 96 : index
        %swap3A_801 = tpu.vector_load %arg13[%swap3A_799, %swap3A_800] {strides = array<i32>} : memref<128x128xf32, #tpu.memory_space<vmem>>, vector<16xf32>,
        tpu.vector_store %arg13[%swap3A_799, %swap3A_800], %get3A_798 {strides = array<i32>} : memref<128x128xf32, #tpu.memory_space<vmem>>, vector<16xf32>,
        %get3A_802 = arith.index_cast %scan3A_783 : i32 to index
        %get3A_803 = arith.constant 48 : index
        %get3A_804 = tpu.vector_load %arg11[%get3A_802, %get3A_803] {strides = array<i32>} : memref<128x128xf32, #tpu.memory_space<vmem>>, vector<16xf32>,
        %swap3A_805 = arith.index_cast %scan3A_783 : i32 to index
        %swap3A_806 = arith.constant 112 : index
        %swap3A_807 = tpu.vector_load %arg13[%swap3A_805, %swap3A_806] {strides = array<i32>} : memref<128x128xf32, #tpu.memory_space<vmem>>, vector<16xf32>,
        tpu.vector_store %arg13[%swap3A_805, %swap3A_806], %get3A_804 {strides = array<i32>} : memref<128x128xf32, #tpu.memory_space<vmem>>, vector<16xf32>,
      }
      %scan3A_749 = arith.constant 128 : i32
      %mul3A_750 = arith.constant 128 : i32
      %mul3A_751 = arith.muli %add3A_377, %mul3A_750 : i32
      %add3A_752 = arith.addi %mul3A_2, %mul3A_751 : i32
      %dma_start3A_753 = arith.constant 0 : i32
      %dma_start3A_754 = tpu.memref_slice %arg6[%add3A_752, %dma_start3A_753] : memref<204800x128xf32, #tpu.memory_space<hbm>> -> memref<128x128xf32, #tpu.memory_space<hbm>>
      %dma_start3A_755 = arith.constant 0 : i32
      %dma_start3A_756 = tpu.memref_slice %arg6[%add3A_752, %dma_start3A_755] : memref<204800x128xf32, #tpu.memory_space<hbm>> -> memref<128x128xf32, #tpu.memory_space<hbm>>
      tpu.enqueue_dma source(%arg13 : memref<128x128xf32, #tpu.memory_space<vmem>>) target(%dma_start3A_756 : memref<128x128xf32, #tpu.memory_space<hbm>>) target_semaphore(%arg19 : memref<!tpu.dma_semaphore, #tpu.memory_space<semaphore_mem>>)
    }
    %scan3A_355 = arith.constant 25 : i32
    %mul3A_356 = arith.constant 48 : i32
    %mul3A_357 = arith.constant 128 : i32
    %mul3A_358 = arith.muli %mul3A_356, %mul3A_357 : i32
    %add3A_359 = arith.addi %mul3A_2, %mul3A_358 : i32
    %dma_wait3A = arith.constant 0 : i32
    %dma_wait3A_360 = tpu.memref_slice %arg6[%add3A_359, %dma_wait3A] : memref<204800x128xf32, #tpu.memory_space<hbm>> -> memref<128x128xf32, #tpu.memory_space<hbm>>
    %dma_wait3A_361 = arith.constant 0 : i32
    %dma_wait3A_362 = tpu.memref_slice %arg6[%add3A_359, %dma_wait3A_361] : memref<204800x128xf32, #tpu.memory_space<hbm>> -> memref<128x128xf32, #tpu.memory_space<hbm>>
    tpu.wait_dma2 semaphore(%arg18 : memref<!tpu.dma_semaphore, #tpu.memory_space<semaphore_mem>>) src(%arg12 : memref<128x128xf32, #tpu.memory_space<vmem>>) dst(%dma_wait3A_362 : memref<128x128xf32, #tpu.memory_space<hbm>>)
    %mul3A_363 = arith.constant 49 : i32
    %mul3A_364 = arith.constant 128 : i32
    %mul3A_365 = arith.muli %mul3A_363, %mul3A_364 : i32
    %add3A_366 = arith.addi %mul3A_2, %mul3A_365 : i32
    %dma_wait3A_367 = arith.constant 0 : i32
    %dma_wait3A_368 = tpu.memref_slice %arg6[%add3A_366, %dma_wait3A_367] : memref<204800x128xf32, #tpu.memory_space<hbm>> -> memref<128x128xf32, #tpu.memory_space<hbm>>
    %dma_wait3A_369 = arith.constant 0 : i32
    %dma_wait3A_370 = tpu.memref_slice %arg6[%add3A_366, %dma_wait3A_369] : memref<204800x128xf32, #tpu.memory_space<hbm>> -> memref<128x128xf32, #tpu.memory_space<hbm>>
    tpu.wait_dma2 semaphore(%arg19 : memref<!tpu.dma_semaphore, #tpu.memory_space<semaphore_mem>>) src(%arg13 : memref<128x128xf32, #tpu.memory_space<vmem>>) dst(%dma_wait3A_370 : memref<128x128xf32, #tpu.memory_space<hbm>>)
    return
  }
}

</mosaic_0001>

<sc_bundles>
// kernel: kernel.3.cloned.1.call-start
scs
__scs_entry_jumppad:
0x0: {  	(pc) =	sbr.rel $0x88, $3  }
0x1: {  	(tag) =	ssettag $0x0;
	lr =	simm.s32 $0x1  }
0x2: {  	[smem:$0x3F9D] =	sst lr;
	_ =	strace $0xD0000000  }
0x3: {  	_ = 	snop  }
0x4: {  	_ = 	snop  }
0x5: {  	_ = 	snop  }
0x6: {  	_ = 	snop  }
0x7: {  	_ = 	snop  }
__scs_overlays_trampoline_lowered:
0x8: {  	[smem:$0x3FAC] =	sst s0  }
0x9: {  	[smem:$0x3FAD] =	sst s1  }
0xa: {  	[smem:$0x3FAE] =	sst s2  }
0xb: {  	[smem:$0x3FAF] =	sst s3  }
0xc: {  	[smem:$0x3FB0] =	sst s4  }
0xd: {  	[smem:$0x3FB1] =	sst s5  }
0xe: {  	[smem:$0x3FB2] =	sst s6  }
0xf: {  	[smem:$0x3FB3] =	sst s7  }
0x10: {  	[smem:$0x3FB4] =	sst s8  }
0x11: {  	[smem:$0x3FB5] =	sst s9;
	s0 =	simm.s32 @!p0 $0x0  }
0x12: {  	s1 =	sld [smem:$0x3F9B];
	s0 =	simm.s32 @p0 $0x1  }
0x13: {  	[smem:$0x3FB6] =	sst s0;
	s0 =	simm.s32 @!p1 $0x0  }
0x14: {  	s2 =	sld [smem:$0x3F9A];
	s0 =	simm.s32 @p1 $0x1  }
0x15: {  	[smem:$0x3FB7] =	sst s0;
	s0 =	simm.s32 @!p2 $0x0  }
0x16: {  	s3 =	sld [smem:$0x3FDB];
	s0 =	simm.s32 @p2 $0x1  }
0x17: {  	s4 =	simm.s32 $0x1BF5;
	[smem:$0x3FB9] =	sst s0  }
0x18: {  	s0 =	sld [smem:$0x3F9C];
	_ =	swait.ge [sflag:s4], $0x0  }
0x19: {  	s7 =	sld [smem:$0x3F9D]  }
0x1a: {  	s8 =	sadd.s32 $0xFFFFE003, lr  }
0x1b: {  	s9 =	sadd.s32 $0xFFFFFEF7, lr;
	s5 =	simm.s32 $0xFFFFFFFF;
	p2 =	slt.u32 s8, $0xFFFFF086  }
0x1c: {  	p1 =	slt.u32 s9, $0xF7A;
	s5 =	simm.s32 @!p2 $0x0  }
0x1d: {  	s5 =	simm.s32 @p1 $0x1;
	p0 =	seq.s32 s7, s2  }
0x1e: {  	s7 =	smul.u32 @!p0 $0xF7A, s2;
	p2 =	seq.s32 @!p0 s5, $0x0  }
0x1f: {  	s9 =	smul.u32 $0xF7A, s1;
	s8 =	simm.s32 @!p0 $0x1BF5;
	p2 =	por !p2, p0  }
0x20: {  	[sflag:s8] =	ssyncset.s32 @!p0 $0xFFFFF086;
	s6 =	sadd.s32 @!p0 s3, s7;
	s7 =	simm.s32 @!p0 $0x108  }
0x21: {  	s3 =	sadd.s32 s3, s9;
	s6 =	sadd.s32 @!p0 $0x88, s6;
	s7 =	simm.s32 @p2 $0x1082  }
0x22: {  	[simem:s7], [sflag:s8] =	dma.local @!p0 [hbm:s6], $0xF7A  }
0x23: {  	s9 =	sor.u32 $0xD0000000, s2;
	s6 =	simm.s32 $0x108;
	_ =	swait.ge @!p0 [sflag:s8], $0x0  }
0x24: {  	s3 =	sadd.s32 $0x88, s3;
	s6 =	simm.s32 @!p1 $0x1082;
	[sflag:s4] =	ssyncset.s32 $0xFFFFF086  }
0x25: {  	[simem:s6], [sflag:s4] =	dma.local [hbm:s3], $0xF7A  }
0x26: {  	[smem:$0x3F9D] =	sst s1;
	(tag) =	ssettag s2;
	_ =	strace s9  }
0x27: {  	s1 =	sld [smem:$0x3FAD]  }
0x28: {  	s2 =	sld [smem:$0x3FAE]  }
0x29: {  	s4 =	sld [smem:$0x3FB0]  }
0x2a: {  	p0 =	seq.s32 s5, $0x0;
	s5 =	sld [smem:$0x3FB1]  }
0x2b: {  	s6 =	sld [smem:$0x3FB2]  }
0x2c: {  	s7 =	sld [smem:$0x3FB3]  }
0x2d: {  	s3 =	simm.s32 $0x108;
	s8 =	sld [smem:$0x3FB4]  }
0x2e: {  	s3 =	simm.s32 @!p0 $0x1082;
	s9 =	sld [smem:$0x3FB5]  }
0x2f: {  	lr =	sadd.s32 s0, s3;
	s0 =	sld [smem:$0x3FAC]  }
0x30: {  	s3 =	sld [smem:$0x3FAF]  }
0x31: {  	[smem:$0x3FB8] =	sst s10  }
0x32: {  	s10 =	sld [smem:$0x3FB6];
	_ =	sdelay $0x3  }
0x33: {  	p0 =	seq.s32 s10, $0x1;
	s10 =	sld [smem:$0x3FB8];
	_ =	sdelay $0x3  }
0x34: {  	[smem:$0x3FB8] =	sst s10  }
0x35: {  	s10 =	sld [smem:$0x3FB7];
	_ =	sdelay $0x3  }
0x36: {  	p1 =	seq.s32 s10, $0x1;
	s10 =	sld [smem:$0x3FB8];
	_ =	sdelay $0x3  }
0x37: {  	[smem:$0x3FB8] =	sst s10  }
0x38: {  	s10 =	sld [smem:$0x3FB9]  }
0x39: {  	_ = 	snop;
	(pc) =	sbr.ind lr, $3  }
0x3a: {  	_ = 	snop  }
0x3b: {  	_ = 	snop  }
0x3c: {  	p2 =	seq.s32 s10, $0x1;
	s10 =	sld [smem:$0x3FB8]  }
0x3d: {  	_ =	shalt  }
0x3e: {  	_ =	shalt  }
0x3f: {  	_ =	shalt  }
0x40: {  	_ =	shalt  }
0x41: {  	_ =	shalt  }
0x42: {  	_ =	shalt  }
0x43: {  	_ =	shalt  }
0x44: {  	_ =	shalt  }
0x45: {  	_ =	shalt  }
0x46: {  	_ =	shalt  }
0x47: {  	_ =	shalt  }
0x48: {  	_ =	shalt  }
0x49: {  	_ =	shalt  }
0x4a: {  	_ =	shalt  }
0x4b: {  	_ =	shalt  }
0x4c: {  	_ =	shalt  }
0x4d: {  	_ =	shalt  }
0x4e: {  	_ =	shalt  }
0x4f: {  	_ =	shalt  }
0x50: {  	_ =	shalt  }
0x51: {  	_ =	shalt  }
0x52: {  	_ =	shalt  }
0x53: {  	_ =	shalt  }
0x54: {  	_ =	shalt  }
0x55: {  	_ =	shalt  }
0x56: {  	_ =	shalt  }
0x57: {  	_ =	shalt  }
0x58: {  	_ =	shalt  }
0x59: {  	_ =	shalt  }
0x5a: {  	_ =	shalt  }
0x5b: {  	_ =	shalt  }
0x5c: {  	_ =	shalt  }
0x5d: {  	_ =	shalt  }
0x5e: {  	_ =	shalt  }
0x5f: {  	_ =	shalt  }
0x60: {  	_ =	shalt  }
0x61: {  	_ =	shalt  }
0x62: {  	_ =	shalt  }
0x63: {  	_ =	shalt  }
0x64: {  	_ =	shalt  }
0x65: {  	_ =	shalt  }
0x66: {  	_ =	shalt  }
0x67: {  	_ =	shalt  }
0x68: {  	_ =	shalt  }
0x69: {  	_ =	shalt  }
0x6a: {  	_ =	shalt  }
0x6b: {  	_ =	shalt  }
0x6c: {  	_ =	shalt  }
0x6d: {  	_ =	shalt  }
0x6e: {  	_ =	shalt  }
0x6f: {  	_ =	shalt  }
0x70: {  	_ =	shalt  }
0x71: {  	_ =	shalt  }
0x72: {  	_ =	shalt  }
0x73: {  	_ =	shalt  }
0x74: {  	_ =	shalt  }
0x75: {  	_ =	shalt  }
0x76: {  	_ =	shalt  }
0x77: {  	_ =	shalt  }
0x78: {  	_ =	shalt  }
0x79: {  	_ =	shalt  }
0x7a: {  	_ =	shalt  }
0x7b: {  	_ =	shalt  }
0x7c: {  	_ =	shalt  }
0x7d: {  	_ =	shalt  }
0x7e: {  	_ =	shalt  }
0x7f: {  	_ =	shalt  }
0x80: {  	_ =	shalt  }
0x81: {  	_ =	shalt  }
0x82: {  	_ =	shalt  }
0x83: {  	_ =	shalt  }
0x84: {  	_ =	shalt  }
0x85: {  	_ =	shalt  }
0x86: {  	_ =	shalt  }
0x87: {  	_ =	shalt  }
.Lfunc_end0:
.L_simem_size_0:
called_computation_lowered:
.L_overlay_start_0:
0x88: {  	s2 =	sld [smem:$0x3FD9]  }
0x89: {  	s3 =	sld [smem:$0x3FFE];
	_ =	sdelay $0x1  }
0x8a: {  	s1 =	srdreg.scid  }
0x8b: {  	s0 =	sand.u32 $0x1, s1  }
0x8c: {  	s17 =	sshll.u32 s0, $0xA;
	s2 =	sadd.s32 s3, s2  }
0x8d: {  	s2 =	sadd.s32 s2, s17  }
0x8e: {  	[smem:$0x3FC4] =	sst s2  }
0x8f: {  	_ = 	snop  }
0x90: {  	s2 =	sld [smem:$0x3FC7]  }
0x91: {  	s18 =	sld [smem:$0x3FD0];
	(tm) =	ssettm $0x1  }
0x92: {  	s4 =	sld [smem:$0x3FFB];
	_ =	sdelay $0x3  }
0x93: {  	_ =	strace s4  }
0x94: {  	s4 =	sld [smem:$0x3FFC];
	_ =	sdelay $0x3  }
0x95: {  	_ =	strace s4  }
0x96: {  	s4 =	sld [smem:$0x3FFD];
	_ =	sdelay $0x3  }
0x97: {  	_ =	strace s4  }
0x98: {  	_ =	strace $0x8FFFFFFF  }
0x99: {  	s19 =	sld [smem:$0x3FDB];
	_ =	sdelay $0x1  }
0x9a: {  	s5 =	simm.s32 $_scs_section_size  }
0x9b: {  	s6 =	simm.s32 $_size__tile_overlayer_lowered;
	s7 =	simm.s32 $_tile_overlayer_lowered  }
0x9c: {  	s22 =	simm.s32 $0x1BFF;
	s21 =	sshll.u32 s7, $0x1;
	s4 =	sadd.s32 s5, s19  }
0x9d: {  	s8 =	simm.s32 $0x0;
	s20 =	sshll.u32 s6, $0x1;
	s6 =	sadd.s32 s21, s4  }
0x9e: {  	[timem:s8], [sflag:s22] =	dma.local [hbm:s6], s20  }
0x9f: {  	_ =	swait.ge [sflag:s22], s20  }
0xa0: {  	s5 =	ssub.s32 $0x0, s20;
	[sflag:s22] =	ssyncset.done $0x0  }
0xa1: {  	[sflag:s22] =	ssyncadd.s32 s5;
	_ =	sdelay $0x1  }
0xa2: {  	s23 =	simm.s32 $0x1B8B  }
0xa3: {  	_ =	swait.ge [sflag:s23], $0x1  }
0xa4: {  	[sflag:s23] =	ssyncset.done $0x0  }
0xa5: {  	s25 =	simm.s32 $0x1B8E;
	s24 =	sld [smem:$0x3FFE];
	[sflag:s23] =	ssyncadd.s32 $0xFFFFFFFF  }
0xa6: {  	s26 =	simm.s32 $execute0_lowered;
	[smem:$0x3FD2] =	sst s25  }
0xa7: {  	s6 =	sshll.u32 s26, $0x1;
	_ =	strace $0x80000046;
	[dreg:$0x1] =	wrdreg $0xFFFFFFFF  }
0xa8: {  	s28 =	simm.s32 $_size_execute0_lowered;
	s4 =	sadd.s32 s4, s6;
	[dreg:$0x0] =	wrdreg $0x0  }
0xa9: {  	s6 =	sshll.u32 s28, $0x1;
	[dreg:$0x2] =	wrdreg s4  }
0xaa: {  	[dreg:$0x3] =	wrdreg s6  }
0xab: {  	[dreg:$0x4] =	wrdreg $0xC0  }
0xac: {  	_ =	task [dreg:s8], $0x5FFFF  }
0xad: {  	[dreg:$0x1] =	wrdreg $0xFFFFFFFF  }
0xae: {  	[dreg:$0x0] =	wrdreg $0x60  }
0xaf: {  	[dreg:$0x2] =	wrdreg s24  }
0xb0: {  	[dreg:$0x3] =	wrdreg s2  }
0xb1: {  	[dreg:$0x4] =	wrdreg s18  }
0xb2: {  	[dreg:$0x5] =	wrdreg $0x9  }
0xb3: {  	_ =	task.clear_ibuf [dreg:s8], $0x6FFFF;
	_ =	strace $0x90000046  }
0xb4: {  	s29 =	simm.s32 $0x9;
	_ =	strace $0x80000048  }
0xb5: {  	_ =	swait.ge [sflag:s29], $0x1  }
0xb6: {  	[sflag:s29] =	ssyncadd.s32 $0xFFFFFFFF  }
0xb7: {  	_ =	strace $0x90000048  }
0xb8: {  	_ =	sfence  }
0xb9: {  	s30 =	sld [smem:$0x0];
	_ =	sdelay $0x2  }
0xba: {  	s31 =	sshll.u32 s1, $0xD;
	s1 =	sshrl.u32 s1, $0x2  }
0xbb: {  	s3 =	sand.u32 $0x4000, s31;
	s1 =	sadd.s32 s1, s30  }
0xbc: {  	s0 =	sor.u32 s3, s0;
	s1 =	sshll.u32 s1, $0x11  }
0xbd: {  	s0 =	sor.u32 s1, s0  }
0xbe: {  	s0 =	sadd.s32 $0x8F2B, s0  }
0xbf: {  	[sflag:s0] =	ssyncadd.remote.s32 $0x1  }
0xc0: {  	_ =	sfence.sel $0xFFFF  }
0xc1: {  	[dreg:$0x0] =	wrdreg $0xFFFFFFFF;
	(pc) =	sbr.abs _section_cstart, $3  }
0xc2: {  	[dreg:$0x1] =	wrdreg $0xFFFFFFFF  }
0xc3: {  	_ =	task.clear_ibuf [dreg:s8], $0x2FFFF;
	_ =	strace $0x9FFFFFFF  }
0xc4: {  	(tm) =	ssettm $0x7FFFFFFF  }
0xc5: {  	_ =	shalt  }
tec
execute0_lowered:
.L_overlay_start_1:
0x0: {  	(tag) =	ssettag $0x1  }
0x1: {  	s0 =	rddreg [dreg:$0x0];
	s1 =	srdreg.scid  }
0x2: {  	s2 =	stileid.u32;
	s3 =	rddreg [dreg:$0x2];
	s4 =	simm.s32 $0x0  }
0x3: {  	s11 =	simm.s32 $0x5;
	s13 =	simm.s32 $0x80;
	s15 =	simm.s32 $0x3300  }
0x4: {  	v0 =	vlaneseq.u32;
	s16 =	simm.s32 $0x3280;
	s17 =	simm.s32 $0x7300;
	s18 =	simm.s32 $0x1  }
0x5: {  	s19 =	simm.s32 $0xB300;
	s20 =	simm.s32 $0x2;
	s21 =	simm.s32 $0xF300;
	v0 =	vmul.u32 $0x2, v0  }
0x6: {  	s22 =	simm.s32 $0x3;
	s1 =	sand.u32 $0x1, s1;
	s2 =	sshll.u32 s2, $0x1  }
0x7: {  	s23 =	simm.s32 $0x4;
	[smem:$0x7FF] =	sst s4;
	s2 =	sor.u32 s1, s2;
	v1 =	vor.u32 $0x1, v0;
	v2 =	vor.u32 $0x20, v0;
	v3 =	vor.u32 $0x21, v0  }
0x8: {  	s6 =	sadd.s32 $0x100D200, s0;
	s1 =	ssub.s32 $0x2, s1;
	s5 =	smul.u32 $0x640, s2;
	v4 =	vor.u32 $0x40, v0;
	v5 =	vor.u32 $0x41, v0;
	v6 =	vor.u32 $0x60, v0  }
0x9: {  	s24 =	simm.s32 $0x0;
	_ =	strace $0x80000047;
	s8 =	sshrl.u32 s1, $0x1;
	v7 =	vor.u32 $0x61, v0;
	v8 =	vor.u32 $0x80, v0;
	v9 =	vor.u32 $0x81, v0  }
0xa: {  	v10 =	vor.u32 $0xA0, v0;
	v11 =	vor.u32 $0xA1, v0;
	v12 =	vor.u32 $0xC0, v0;
	s31 =	ssub.s32 s1, s8;
	s8 =	smul.u32 $0xC8000, s2;
	s7 =	sadd.s32 s5, s0  }
0xb: {  	v13 =	vor.u32 $0xC1, v0;
	v14 =	vor.u32 $0xE0, v0;
	v15 =	vor.u32 $0xE1, v0;
	s5 =	sadd.s32 $0x100D000, s0;
	s9 =	smax.u32 s31, $0x1;
	s7 =	sadd.s32 $0x1000800, s7  }
.LBB2_1:
0xc: {  	s0 =	simm.s32 $0x13300  }
0xd: {  	[tilespmem:s0], [sflag:$0x5] =	stream.linear.gather [hbm4b:s5+s4], $0x80, $0x38;
	[tilespmem:$0x13400] =	vst v63  }
0xe: {  	_ =	swait.ge [sflag:s11], $0x80  }
0xf: {  	[sflag:s11] =	ssyncset.done $0x0  }
0x10: {  	[sflag:s11] =	ssyncadd.s32 $0xFFFFFF80  }
0x11: {  	s1 =	simm.s32 $0x13380;
	s30 =	rddreg [dreg:$0x1]  }
0x12: {  	[tilespmem:s1], [sflag:$0x5] =	stream.linear.gather [hbm4b:s30+s4], $0x80, $0x38;
	[tilespmem:$0x13400] =	vst v63  }
0x13: {  	_ =	swait.ge [sflag:s11], $0x80  }
0x14: {  	[sflag:s11] =	ssyncset.done $0x0  }
0x15: {  	[sflag:s11] =	ssyncadd.s32 $0xFFFFFF80  }
0x16: {  	[tilespmem:s4], [sflag:$0x5] =	stream.linear.gather [hbm4b:s7+s4], $0x3200, $0x38;
	[tilespmem:$0x13400] =	vst v63  }
0x17: {  	_ =	swait.ge [sflag:s11], $0x3200  }
0x18: {  	[sflag:s11] =	ssyncset.done $0x0  }
0x19: {  	[sflag:s11] =	ssyncadd.s32 $0xFFFFCE00  }
0x1a: {  	v16 =	vld.idx.msk [tilespmem:v0+s4+$0x0], $0xffff  }
0x1b: {  	v17 =	vld.idx.msk [tilespmem:v1+s4+$0x0], $0xffff;
	_ =	sdelay $0x3  }
0x1c: {  	v16 =	vmul.f32 $1.024000000e+03, v16  }
0x1d: {  	v17 =	vmul.f32 $1.024000000e+03, v17  }
0x1e: {  	v16 =	vtrunc.f32 v16  }
0x1f: {  	v17 =	vtrunc.f32 v17;
	v16 =	vcvt.f32.s32 v16  }
0x20: {  	v17 =	vcvt.f32.s32 v17  }
0x21: {  	vm0 =	vgt.s32 v16, $0x0  }
0x22: {  	vm13 =	vgt.s32 v17, $0x0;
	v16 =	vnsel vm0, $0x0, v16  }
0x23: {  	v17 =	vnsel vm13, $0x0, v17;
	v16 =	vmin.u32 v16, $0x3FF  }
0x24: {  	v17 =	vmin.u32 v17, $0x3FF;
	v16 =	vshll.u32 v16, $0xA  }
0x25: {  	v16 =	vor.u32 v17, v16  }
0x26: {  	[tilespmem:$0x3200] =	vst v16  }
0x27: {  	v16 =	vld.idx.msk [tilespmem:v2+s4+$0x0], $0xffff  }
0x28: {  	v17 =	vld.idx.msk [tilespmem:v3+s4+$0x0], $0xffff;
	_ =	sdelay $0x3  }
0x29: {  	v16 =	vmul.f32 $1.024000000e+03, v16  }
0x2a: {  	v17 =	vmul.f32 $1.024000000e+03, v17  }
0x2b: {  	v16 =	vtrunc.f32 v16  }
0x2c: {  	v17 =	vtrunc.f32 v17;
	v16 =	vcvt.f32.s32 v16  }
0x2d: {  	v17 =	vcvt.f32.s32 v17  }
0x2e: {  	vm14 =	vgt.s32 v16, $0x0  }
0x2f: {  	vm15 =	vgt.s32 v17, $0x0;
	v16 =	vnsel vm14, $0x0, v16  }
0x30: {  	v17 =	vnsel vm15, $0x0, v17;
	v16 =	vmin.u32 v16, $0x3FF  }
0x31: {  	v17 =	vmin.u32 v17, $0x3FF;
	v16 =	vshll.u32 v16, $0xA  }
0x32: {  	v16 =	vor.u32 v17, v16  }
0x33: {  	[tilespmem:$0x3210] =	vst v16  }
0x34: {  	v16 =	vld.idx.msk [tilespmem:v4+s4+$0x0], $0xffff  }
0x35: {  	v17 =	vld.idx.msk [tilespmem:v5+s4+$0x0], $0xffff;
	_ =	sdelay $0x3  }
0x36: {  	v16 =	vmul.f32 $1.024000000e+03, v16  }
0x37: {  	v17 =	vmul.f32 $1.024000000e+03, v17  }
0x38: {  	v16 =	vtrunc.f32 v16  }
0x39: {  	v17 =	vtrunc.f32 v17;
	v16 =	vcvt.f32.s32 v16  }
0x3a: {  	v17 =	vcvt.f32.s32 v17  }
0x3b: {  	vm4 =	vgt.s32 v16, $0x0  }
0x3c: {  	vm5 =	vgt.s32 v17, $0x0;
	v16 =	vnsel vm4, $0x0, v16  }
0x3d: {  	v17 =	vnsel vm5, $0x0, v17;
	v16 =	vmin.u32 v16, $0x3FF  }
0x3e: {  	v17 =	vmin.u32 v17, $0x3FF;
	v16 =	vshll.u32 v16, $0xA  }
0x3f: {  	v16 =	vor.u32 v17, v16  }
0x40: {  	[tilespmem:$0x3220] =	vst v16  }
0x41: {  	v16 =	vld.idx.msk [tilespmem:v6+s4+$0x0], $0xffff  }
0x42: {  	v17 =	vld.idx.msk [tilespmem:v7+s4+$0x0], $0xffff;
	_ =	sdelay $0x3  }
0x43: {  	v16 =	vmul.f32 $1.024000000e+03, v16  }
0x44: {  	v17 =	vmul.f32 $1.024000000e+03, v17  }
0x45: {  	v16 =	vtrunc.f32 v16  }
0x46: {  	v17 =	vtrunc.f32 v17;
	v16 =	vcvt.f32.s32 v16  }
0x47: {  	v17 =	vcvt.f32.s32 v17  }
0x48: {  	vm6 =	vgt.s32 v16, $0x0  }
0x49: {  	vm7 =	vgt.s32 v17, $0x0;
	v16 =	vnsel vm6, $0x0, v16  }
0x4a: {  	v17 =	vnsel vm7, $0x0, v17;
	v16 =	vmin.u32 v16, $0x3FF  }
0x4b: {  	v17 =	vmin.u32 v17, $0x3FF;
	v16 =	vshll.u32 v16, $0xA  }
0x4c: {  	v16 =	vor.u32 v17, v16  }
0x4d: {  	[tilespmem:$0x3230] =	vst v16  }
0x4e: {  	v16 =	vld.idx.msk [tilespmem:v8+s4+$0x0], $0xffff  }
0x4f: {  	v17 =	vld.idx.msk [tilespmem:v9+s4+$0x0], $0xffff;
	_ =	sdelay $0x3  }
0x50: {  	v16 =	vmul.f32 $1.024000000e+03, v16  }
0x51: {  	v17 =	vmul.f32 $1.024000000e+03, v17  }
0x52: {  	v16 =	vtrunc.f32 v16  }
0x53: {  	v17 =	vtrunc.f32 v17;
	v16 =	vcvt.f32.s32 v16  }
0x54: {  	v17 =	vcvt.f32.s32 v17  }
0x55: {  	vm8 =	vgt.s32 v16, $0x0  }
0x56: {  	vm9 =	vgt.s32 v17, $0x0;
	v16 =	vnsel vm8, $0x0, v16  }
0x57: {  	v17 =	vnsel vm9, $0x0, v17;
	v16 =	vmin.u32 v16, $0x3FF  }
0x58: {  	v17 =	vmin.u32 v17, $0x3FF;
	v16 =	vshll.u32 v16, $0xA  }
0x59: {  	v16 =	vor.u32 v17, v16  }
0x5a: {  	[tilespmem:$0x3240] =	vst v16  }
0x5b: {  	v16 =	vld.idx.msk [tilespmem:v10+s4+$0x0], $0xffff  }
0x5c: {  	v17 =	vld.idx.msk [tilespmem:v11+s4+$0x0], $0xffff;
	_ =	sdelay $0x3  }
0x5d: {  	v16 =	vmul.f32 $1.024000000e+03, v16  }
0x5e: {  	v17 =	vmul.f32 $1.024000000e+03, v17  }
0x5f: {  	v16 =	vtrunc.f32 v16  }
0x60: {  	v17 =	vtrunc.f32 v17;
	v16 =	vcvt.f32.s32 v16  }
0x61: {  	v17 =	vcvt.f32.s32 v17  }
0x62: {  	vm10 =	vgt.s32 v16, $0x0  }
0x63: {  	vm11 =	vgt.s32 v17, $0x0;
	v16 =	vnsel vm10, $0x0, v16  }
0x64: {  	v17 =	vnsel vm11, $0x0, v17;
	v16 =	vmin.u32 v16, $0x3FF  }
0x65: {  	v17 =	vmin.u32 v17, $0x3FF;
	v16 =	vshll.u32 v16, $0xA  }
0x66: {  	v16 =	vor.u32 v17, v16  }
0x67: {  	[tilespmem:$0x3250] =	vst v16  }
0x68: {  	v16 =	vld.idx.msk [tilespmem:v12+s4+$0x0], $0xffff  }
0x69: {  	v17 =	vld.idx.msk [tilespmem:v13+s4+$0x0], $0xffff;
	_ =	sdelay $0x3  }
0x6a: {  	v16 =	vmul.f32 $1.024000000e+03, v16  }
0x6b: {  	v17 =	vmul.f32 $1.024000000e+03, v17  }
0x6c: {  	v16 =	vtrunc.f32 v16  }
0x6d: {  	v17 =	vtrunc.f32 v17;
	v16 =	vcvt.f32.s32 v16  }
0x6e: {  	v17 =	vcvt.f32.s32 v17  }
0x6f: {  	vm12 =	vgt.s32 v16, $0x0  }
0x70: {  	vm13 =	vgt.s32 v17, $0x0;
	v16 =	vnsel vm12, $0x0, v16  }
0x71: {  	v17 =	vnsel vm13, $0x0, v17;
	v16 =	vmin.u32 v16, $0x3FF  }
0x72: {  	v17 =	vmin.u32 v17, $0x3FF;
	v16 =	vshll.u32 v16, $0xA  }
0x73: {  	v16 =	vor.u32 v17, v16  }
0x74: {  	[tilespmem:$0x3260] =	vst v16  }
0x75: {  	v18 =	vld.idx.msk [tilespmem:v14+s4+$0x0], $0xffff  }
0x76: {  	v19 =	vld.idx.msk [tilespmem:v15+s4+$0x0], $0xffff;
	_ =	sdelay $0x3  }
0x77: {  	v23 =	vld [tilespmem:$0x13370];
	v20 =	vmul.f32 $1.024000000e+03, v18  }
0x78: {  	v17 =	vld [tilespmem:$0x13310];
	v21 =	vmul.f32 $1.024000000e+03, v19  }
0x79: {  	v16 =	vld [tilespmem:$0x13300];
	v22 =	vtrunc.f32 v20  }
0x7a: {  	v18 =	vld [tilespmem:$0x13320];
	v24 =	vcvt.f32.s32 v22;
	v22 =	vtrunc.f32 v21  }
0x7b: {  	v19 =	vld [tilespmem:$0x13330];
	v25 =	vcvt.f32.s32 v22  }
0x7c: {  	v20 =	vld [tilespmem:$0x13340];
	vm14 =	vgt.s32 v24, $0x0  }
0x7d: {  	v21 =	vld [tilespmem:$0x13350];
	v26 =	vnsel vm14, $0x0, v24;
	vm15 =	vgt.s32 v25, $0x0  }
0x7e: {  	v22 =	vld [tilespmem:$0x13360];
	v26 =	vmin.u32 v26, $0x3FF;
	v27 =	vnsel vm15, $0x0, v25  }
0x7f: {  	v24 =	vld [tilespmem:$0x13380];
	v27 =	vmin.u32 v27, $0x3FF;
	v28 =	vshll.u32 v26, $0xA  }
0x80: {  	s31 =	simm.s32 $0x3200;
	v25 =	vld [tilespmem:$0x13390];
	v28 =	vor.u32 v27, v28  }
0x81: {  	s25 =	simm.s32 $0x100;
	s26 =	simm.s32 $0x0;
	s28 =	simm.s32 $0x0;
	v26 =	vld [tilespmem:$0x133A0];
	[tilespmem:$0x3270] =	vst v28  }
0x82: {  	v27 =	vld [tilespmem:$0x133B0];
	[tilespmem:s15], [sflag:$0x1] =	stream.indirect.gather [hbm4b:s6+s13], $0x80, s31, s13, $0xb8  }
.LBB2_2:
0x83: {  	s29 =	sshllo.u32 s28, $0x1  }
0x84: {  	s0 =	sshll.u32 s29, $0x8  }
0x85: {  	v28 =	vor.u32 s0, v0  }
0x86: {  	v29 =	vor.u32 s0, v1;
	_ =	sdelay $0x3  }
0x87: {  	v28 =	vld.idx.msk [tilespmem:v28+s4+$0x0], $0xffff  }
0x88: {  	v29 =	vld.idx.msk [tilespmem:v29+s4+$0x0], $0xffff;
	_ =	sdelay $0x3  }
0x89: {  	v28 =	vmul.f32 $1.024000000e+03, v28  }
0x8a: {  	v29 =	vmul.f32 $1.024000000e+03, v29  }
0x8b: {  	v28 =	vtrunc.f32 v28  }
0x8c: {  	v29 =	vtrunc.f32 v29;
	v28 =	vcvt.f32.s32 v28  }
0x8d: {  	v29 =	vcvt.f32.s32 v29  }
0x8e: {  	s1 =	sor.u32 $0x20, s0;
	vm0 =	vgt.s32 v28, $0x0  }
0x8f: {  	v30 =	vor.u32 s1, v0;
	vm13 =	vgt.s32 v29, $0x0;
	v28 =	vnsel vm0, $0x0, v28  }
0x90: {  	v31 =	vor.u32 s1, v3;
	v29 =	vnsel vm13, $0x0, v29;
	v28 =	vmin.u32 v28, $0x3FF  }
0x91: {  	v29 =	vmin.u32 v29, $0x3FF;
	v28 =	vshll.u32 v28, $0xA  }
0x92: {  	v28 =	vor.u32 v29, v28  }
0x93: {  	[tilespmem:$0x3280] =	vst v28  }
0x94: {  	v28 =	vld.idx.msk [tilespmem:v30+s4+$0x0], $0xffff  }
0x95: {  	v29 =	vld.idx.msk [tilespmem:v31+s4+$0x0], $0xffff;
	_ =	sdelay $0x3  }
0x96: {  	v28 =	vmul.f32 $1.024000000e+03, v28  }
0x97: {  	v29 =	vmul.f32 $1.024000000e+03, v29  }
0x98: {  	v28 =	vtrunc.f32 v28  }
0x99: {  	v29 =	vtrunc.f32 v29;
	v28 =	vcvt.f32.s32 v28  }
0x9a: {  	v29 =	vcvt.f32.s32 v29  }
0x9b: {  	s10 =	sor.u32 $0x40, s0;
	vm14 =	vgt.s32 v28, $0x0  }
0x9c: {  	v30 =	vor.u32 s10, v0;
	vm15 =	vgt.s32 v29, $0x0;
	v28 =	vnsel vm14, $0x0, v28  }
0x9d: {  	v31 =	vor.u32 s10, v5;
	v29 =	vnsel vm15, $0x0, v29;
	v28 =	vmin.u32 v28, $0x3FF  }
0x9e: {  	v29 =	vmin.u32 v29, $0x3FF;
	v28 =	vshll.u32 v28, $0xA  }
0x9f: {  	v28 =	vor.u32 v29, v28  }
0xa0: {  	[tilespmem:$0x3290] =	vst v28  }
0xa1: {  	v28 =	vld.idx.msk [tilespmem:v30+s4+$0x0], $0xffff  }
0xa2: {  	v29 =	vld.idx.msk [tilespmem:v31+s4+$0x0], $0xffff;
	_ =	sdelay $0x3  }
0xa3: {  	v28 =	vmul.f32 $1.024000000e+03, v28  }
0xa4: {  	v29 =	vmul.f32 $1.024000000e+03, v29  }
0xa5: {  	v28 =	vtrunc.f32 v28  }
0xa6: {  	v29 =	vtrunc.f32 v29;
	v28 =	vcvt.f32.s32 v28  }
0xa7: {  	v29 =	vcvt.f32.s32 v29  }
0xa8: {  	s12 =	sor.u32 $0x60, s0;
	vm4 =	vgt.s32 v28, $0x0  }
0xa9: {  	v30 =	vor.u32 s12, v0;
	vm5 =	vgt.s32 v29, $0x0;
	v28 =	vnsel vm4, $0x0, v28  }
0xaa: {  	v31 =	vor.u32 s12, v7;
	v29 =	vnsel vm5, $0x0, v29;
	v28 =	vmin.u32 v28, $0x3FF  }
0xab: {  	v29 =	vmin.u32 v29, $0x3FF;
	v28 =	vshll.u32 v28, $0xA  }
0xac: {  	v28 =	vor.u32 v29, v28  }
0xad: {  	[tilespmem:$0x32A0] =	vst v28  }
0xae: {  	v28 =	vld.idx.msk [tilespmem:v30+s4+$0x0], $0xffff  }
0xaf: {  	v29 =	vld.idx.msk [tilespmem:v31+s4+$0x0], $0xffff;
	_ =	sdelay $0x3  }
0xb0: {  	v28 =	vmul.f32 $1.024000000e+03, v28  }
0xb1: {  	v29 =	vmul.f32 $1.024000000e+03, v29  }
0xb2: {  	v28 =	vtrunc.f32 v28  }
0xb3: {  	v29 =	vtrunc.f32 v29;
	v28 =	vcvt.f32.s32 v28  }
0xb4: {  	v29 =	vcvt.f32.s32 v29  }
0xb5: {  	s14 =	sor.u32 $0x80, s0;
	vm6 =	vgt.s32 v28, $0x0  }
0xb6: {  	v30 =	vor.u32 s14, v0;
	vm7 =	vgt.s32 v29, $0x0;
	v28 =	vnsel vm6, $0x0, v28  }
0xb7: {  	v31 =	vor.u32 s14, v1;
	v29 =	vnsel vm7, $0x0, v29;
	v28 =	vmin.u32 v28, $0x3FF  }
0xb8: {  	v29 =	vmin.u32 v29, $0x3FF;
	v28 =	vshll.u32 v28, $0xA  }
0xb9: {  	v28 =	vor.u32 v29, v28  }
0xba: {  	[tilespmem:$0x32B0] =	vst v28  }
0xbb: {  	v28 =	vld.idx.msk [tilespmem:v30+s4+$0x0], $0xffff  }
0xbc: {  	v29 =	vld.idx.msk [tilespmem:v31+s4+$0x0], $0xffff;
	_ =	sdelay $0x3  }
0xbd: {  	v28 =	vmul.f32 $1.024000000e+03, v28  }
0xbe: {  	v29 =	vmul.f32 $1.024000000e+03, v29  }
0xbf: {  	v28 =	vtrunc.f32 v28  }
0xc0: {  	v29 =	vtrunc.f32 v29;
	v28 =	vcvt.f32.s32 v28  }
0xc1: {  	v29 =	vcvt.f32.s32 v29  }
0xc2: {  	s2 =	sor.u32 $0xA0, s0;
	vm8 =	vgt.s32 v28, $0x0  }
0xc3: {  	v30 =	vor.u32 s2, v0;
	vm9 =	vgt.s32 v29, $0x0;
	v28 =	vnsel vm8, $0x0, v28  }
0xc4: {  	v31 =	vor.u32 s2, v3;
	v29 =	vnsel vm9, $0x0, v29;
	v28 =	vmin.u32 v28, $0x3FF  }
0xc5: {  	v29 =	vmin.u32 v29, $0x3FF;
	v28 =	vshll.u32 v28, $0xA  }
0xc6: {  	v28 =	vor.u32 v29, v28  }
0xc7: {  	[tilespmem:$0x32C0] =	vst v28  }
0xc8: {  	v28 =	vld.idx.msk [tilespmem:v30+s4+$0x0], $0xffff  }
0xc9: {  	v29 =	vld.idx.msk [tilespmem:v31+s4+$0x0], $0xffff;
	_ =	sdelay $0x3  }
0xca: {  	v28 =	vmul.f32 $1.024000000e+03, v28  }
0xcb: {  	v29 =	vmul.f32 $1.024000000e+03, v29  }
0xcc: {  	v28 =	vtrunc.f32 v28  }
0xcd: {  	v29 =	vtrunc.f32 v29;
	v28 =	vcvt.f32.s32 v28  }
0xce: {  	v29 =	vcvt.f32.s32 v29  }
0xcf: {  	s10 =	sor.u32 $0xC0, s0;
	vm10 =	vgt.s32 v28, $0x0  }
0xd0: {  	v30 =	vor.u32 s10, v0;
	vm11 =	vgt.s32 v29, $0x0;
	v28 =	vnsel vm10, $0x0, v28  }
0xd1: {  	v31 =	vor.u32 s10, v5;
	v29 =	vnsel vm11, $0x0, v29;
	v28 =	vmin.u32 v28, $0x3FF  }
0xd2: {  	v29 =	vmin.u32 v29, $0x3FF;
	v28 =	vshll.u32 v28, $0xA  }
0xd3: {  	v28 =	vor.u32 v29, v28  }
0xd4: {  	[tilespmem:$0x32D0] =	vst v28  }
0xd5: {  	v28 =	vld.idx.msk [tilespmem:v30+s4+$0x0], $0xffff  }
0xd6: {  	v29 =	vld.idx.msk [tilespmem:v31+s4+$0x0], $0xffff;
	_ =	sdelay $0x3  }
0xd7: {  	v28 =	vmul.f32 $1.024000000e+03, v28  }
0xd8: {  	v29 =	vmul.f32 $1.024000000e+03, v29  }
0xd9: {  	v28 =	vtrunc.f32 v28  }
0xda: {  	v29 =	vtrunc.f32 v29;
	v28 =	vcvt.f32.s32 v28  }
0xdb: {  	v29 =	vcvt.f32.s32 v29  }
0xdc: {  	s0 =	sor.u32 $0xE0, s0;
	vm12 =	vgt.s32 v28, $0x0  }
0xdd: {  	v30 =	vor.u32 s0, v0;
	vm13 =	vgt.s32 v29, $0x0;
	v28 =	vnsel vm12, $0x0, v28  }
0xde: {  	v31 =	vor.u32 s0, v7;
	v29 =	vnsel vm13, $0x0, v29;
	v28 =	vmin.u32 v28, $0x3FF  }
0xdf: {  	v29 =	vmin.u32 v29, $0x3FF;
	v28 =	vshll.u32 v28, $0xA  }
0xe0: {  	v28 =	vor.u32 v29, v28  }
0xe1: {  	[tilespmem:$0x32E0] =	vst v28  }
0xe2: {  	v28 =	vld.idx.msk [tilespmem:v30+s4+$0x0], $0xffff  }
0xe3: {  	v29 =	vld.idx.msk [tilespmem:v31+s4+$0x0], $0xffff;
	_ =	sdelay $0x3  }
0xe4: {  	v28 =	vmul.f32 $1.024000000e+03, v28  }
0xe5: {  	v29 =	vmul.f32 $1.024000000e+03, v29  }
0xe6: {  	v28 =	vtrunc.f32 v28  }
0xe7: {  	v29 =	vtrunc.f32 v29;
	v28 =	vcvt.f32.s32 v28  }
0xe8: {  	v29 =	vcvt.f32.s32 v29  }
0xe9: {  	vm14 =	vgt.s32 v28, $0x0  }
0xea: {  	vm15 =	vgt.s32 v29, $0x0;
	v28 =	vnsel vm14, $0x0, v28  }
0xeb: {  	v29 =	vnsel vm15, $0x0, v29;
	v28 =	vmin.u32 v28, $0x3FF  }
0xec: {  	s12 =	sadd.s32 $0x1, s26;
	v29 =	vmin.u32 v29, $0x3FF;
	v28 =	vshll.u32 v28, $0xA  }
0xed: {  	v28 =	vor.u32 v29, v28;
	v29 =	vmov s12  }
0xee: {  	[tilespmem:$0x32F0] =	vst v28;
	v28 =	vand.u32 $0xFFFFFFFD, v29;
	v29 =	vmov s26  }
0xef: {  	p0 =	seq.s32 s28, $0x0;
	v28 =	vbroadcast v28, $0x0;
	v29 =	vand.u32 $0xFFFFFFFC, v29  }
0xf0: {  	s0 =	simm.s32 @!p0 $0x3;
	v29 =	vbroadcast v29, $0x0  }
0xf1: {  	[tilespmem:s17], [sflag:$0x2] =	stream.indirect.gather [hbm4b:s6+s13], $0x80, s16, s13, $0xb8;
	[tilespmem:$0x13400] =	vst v63  }
0xf2: {  	_ =	swait.ge @!p0 [sflag:s0], $0x4000  }
0xf3: {  	[sflag:s0] =	ssyncset.done @!p0 $0x0  }
0xf4: {  	[sflag:s0] =	ssyncadd.s32 @!p0 $0xFFFFC000  }
0xf5: {  	v28 =	vld.idx.msk [tilespmem:v28+s4+$0x0], $0xffff  }
0xf6: {  	v29 =	vld.idx.msk [tilespmem:v29+s4+$0x0], $0xffff;
	_ =	sdelay $0x3  }
0xf7: {  	s14 =	sadd.s32 $0x2, s26  }
0xf8: {  	v30 =	vmov s14;
	v31 =	vmul.f32 v28, v20;
	v32 =	vmul.f32 v29, v16  }
0xf9: {  	v30 =	vand.u32 $0xFFFFFFFE, v30;
	v34 =	vmul.f32 v28, v21;
	v33 =	vmul.f32 v29, v17  }
0xfa: {  	v35 =	vmul.f32 v28, v22;
	v61 =	vmul.f32 v29, v18;
	v31 =	vadd.f32 v31, v32  }
0xfb: {  	v28 =	vmul.f32 v28, v23;
	v29 =	vmul.f32 v29, v19;
	v33 =	vadd.f32 v34, v33  }
0xfc: {  	v30 =	vbroadcast v30, $0x0;
	v32 =	vadd.f32 v35, v61;
	v31 =	vadd.f32 v31, v24  }
0xfd: {  	s10 =	simm.s32 $0xB380;
	v28 =	vadd.f32 v28, v29;
	v33 =	vadd.f32 v33, v25  }
0xfe: {  	s1 =	sadd.s32 $0x3, s26;
	v29 =	vadd.f32 v32, v26;
	[tilespmem:s10+$0xFFFFFF80] =	vst v31  }
0xff: {  	v62 =	vmov s1;
	s2 =	sadd.s32 $0x4, s26;
	v28 =	vadd.f32 v28, v27;
	[tilespmem:s10+$0xFFFFFF90] =	vst v33  }
0x100: {  	s12 =	sadd.s32 $0x1, s2;
	[tilespmem:s10+$0xFFFFFFA0] =	vst v29  }
0x101: {  	s14 =	sadd.s32 $0x2, s2;
	[tilespmem:s10+$0xFFFFFFB0] =	vst v28;
	v28 =	vmov s12  }
0x102: {  	v63 =	vmov s14;
	v31 =	vld.idx.msk [tilespmem:v30+s4+$0x0], $0xffff;
	v28 =	vand.u32 $0xFFFFFFFD, v28;
	v30 =	vmov s2  }
0x103: {  	v33 =	vand.u32 $0xFFFFFFFE, v63;
	v29 =	vbroadcast v28, $0x0;
	v28 =	vand.u32 $0xFFFFFFFC, v30  }
0x104: {  	v30 =	vbroadcast v28, $0x0;
	v28 =	vbroadcast v33, $0x0;
	v33 =	vld.idx.msk [tilespmem:v62+s4+$0x0], $0xffff;
	_ =	sdelay $0x2  }
0x105: {  	s30 =	sshll.u32 s28, $0x9;
	s1 =	simm.s32 $0xB480  }
0x106: {  	s31 =	sadd.s32 $0x4, s2;
	s0 =	simm.s32 $0xB480;
	s12 =	simm.s32 $0x4;
	v32 =	vmul.f32 v31, v16;
	v34 =	vmul.f32 v31, v17  }
.LBB2_3:
0x107: {  	s12 =	sadd.s32 $0x2, s12;
	s14 =	sadd.s32 $0x1, s31;
	s1 =	sadd.s32 $0x100, s1;
	v35 =	vmul.f32 v33, v21;
	v36 =	vmul.f32 v31, v18  }
0x108: {  	v38 =	vmul.f32 v33, v22;
	v31 =	vmul.f32 v31, v19;
	p0 =	slt.u32 s12, $0x7E;
	v37 =	vmov s14  }
0x109: {  	v37 =	vand.u32 $0xFFFFFFFD, v37;
	v34 =	vadd.f32 v35, v34;
	v35 =	vmul.f32 v33, v23  }
0x10a: {  	v33 =	vmul.f32 v33, v20;
	v36 =	vadd.f32 v38, v36;
	v37 =	vbroadcast v37, $0x0  }
0x10b: {  	v38 =	vmov s31;
	v34 =	vadd.f32 v34, v25;
	v31 =	vadd.f32 v35, v31  }
0x10c: {  	v32 =	vadd.f32 v33, v32;
	v33 =	vadd.f32 v36, v26  }
0x10d: {  	v35 =	vand.u32 $0xFFFFFFFC, v38;
	[tilespmem:s10+$0x10] =	vst v34;
	v31 =	vadd.f32 v31, v27  }
0x10e: {  	v34 =	vbroadcast v35, $0x0;
	v32 =	vadd.f32 v32, v24;
	[tilespmem:s10+$0x20] =	vst v33  }
0x10f: {  	[tilespmem:s10+$0x30] =	vst v31  }
0x110: {  	[tilespmem:s10+$0x0] =	vst v32;
	s10 =	smov.u32 s0;
	s0 =	smov.u32 s1  }
0x111: {  	v31 =	vld.idx.msk [tilespmem:v29+s4+$0x0], $0xffff;
	v29 =	vmov v37  }
0x112: {  	v32 =	vld.idx.msk [tilespmem:v30+s4+$0x0], $0xffff;
	v30 =	vmov v34;
	_ =	sdelay $0x4  }
0x113: {  	v33 =	vmul.f32 v31, v20;
	v34 =	vmul.f32 v31, v23  }
0x114: {  	v36 =	vmul.f32 v31, v22;
	v35 =	vmul.f32 v32, v16  }
0x115: {  	v31 =	vmul.f32 v31, v21;
	v37 =	vmul.f32 v32, v17  }
0x116: {  	v33 =	vadd.f32 v33, v35;
	v35 =	vmul.f32 v32, v18;
	v32 =	vmul.f32 v32, v19  }
0x117: {  	v31 =	vadd.f32 v31, v37  }
0x118: {  	s14 =	sadd.s32 $0x2, s31;
	v33 =	vadd.f32 v33, v24;
	v35 =	vadd.f32 v36, v35  }
0x119: {  	v36 =	vmov s14;
	v31 =	vadd.f32 v31, v25;
	v32 =	vadd.f32 v34, v32;
	s14 =	sadd.s32 $0x3, s2;
	s2 =	smov.u32 s31  }
0x11a: {  	v34 =	vand.u32 $0xFFFFFFFE, v36;
	[tilespmem:s10+$0xFFFFFF80] =	vst v33;
	v33 =	vadd.f32 v35, v26;
	v35 =	vmov s14  }
0x11b: {  	v34 =	vbroadcast v34, $0x0;
	[tilespmem:s10+$0xFFFFFF90] =	vst v31;
	v31 =	vadd.f32 v32, v27  }
0x11c: {  	[tilespmem:s10+$0xFFFFFFA0] =	vst v33  }
0x11d: {  	[tilespmem:s10+$0xFFFFFFB0] =	vst v31  }
0x11e: {  	v31 =	vld.idx.msk [tilespmem:v28+s4+$0x0], $0xffff;
	v28 =	vmov v34  }
0x11f: {  	v33 =	vld.idx.msk [tilespmem:v35+s4+$0x0], $0xffff  }
.Ltmp0:
0x120: {  	(pc) =	sbr.rel @p0 .LBB2_3-.Ltmp0, $2  }
0x121: {  	_ =	sdelay $0x2  }
0x122: {  	s31 =	sadd.s32 $0x4, s31;
	v32 =	vmul.f32 v31, v16;
	v34 =	vmul.f32 v31, v17  }
0x123: {  	v35 =	vmul.f32 v33, v21  }
0x124: {  	v36 =	vmul.f32 v31, v18;
	v37 =	vmul.f32 v33, v22  }
0x125: {  	v59 =	vmul.f32 v31, v19;
	v60 =	vmul.f32 v33, v23;
	v34 =	vadd.f32 v35, v34  }
0x126: {  	v61 =	vmul.f32 v33, v20;
	v36 =	vadd.f32 v37, v36  }
0x127: {  	v31 =	vadd.f32 v60, v59;
	v34 =	vadd.f32 v34, v25  }
0x128: {  	v32 =	vadd.f32 v61, v32;
	v62 =	vadd.f32 v36, v26  }
0x129: {  	v31 =	vadd.f32 v31, v27;
	[tilespmem:s10+$0x10] =	vst v34  }
0x12a: {  	v32 =	vadd.f32 v32, v24;
	[tilespmem:s10+$0x20] =	vst v62  }
0x12b: {  	[tilespmem:s10+$0x30] =	vst v31  }
0x12c: {  	[tilespmem:s10+$0x0] =	vst v32  }
0x12d: {  	v29 =	vld.idx.msk [tilespmem:v29+s4+$0x0], $0xffff  }
0x12e: {  	v30 =	vld.idx.msk [tilespmem:v30+s4+$0x0], $0xffff;
	_ =	sdelay $0x4  }
0x12f: {  	v63 =	vmul.f32 v29, v20;
	v36 =	vmul.f32 v30, v16  }
0x130: {  	v37 =	vmul.f32 v30, v17;
	v38 =	vmul.f32 v29, v21  }
0x131: {  	v39 =	vmul.f32 v29, v22;
	v40 =	vmul.f32 v30, v18;
	v31 =	vadd.f32 v63, v36  }
0x132: {  	v29 =	vmul.f32 v29, v23;
	v30 =	vmul.f32 v30, v19;
	v33 =	vadd.f32 v38, v37  }
0x133: {  	v32 =	vadd.f32 v39, v40;
	v31 =	vadd.f32 v31, v24  }
0x134: {  	s2 =	sadd.s32 $0x3, s2;
	v29 =	vadd.f32 v29, v30;
	v33 =	vadd.f32 v33, v25  }
0x135: {  	v42 =	vmov s2;
	v41 =	vadd.f32 v32, v26;
	[tilespmem:s0+$0xFFFFFF80] =	vst v31  }
0x136: {  	v29 =	vadd.f32 v29, v27;
	[tilespmem:s0+$0xFFFFFF90] =	vst v33  }
0x137: {  	[tilespmem:s0+$0xFFFFFFA0] =	vst v41  }
0x138: {  	[tilespmem:s0+$0xFFFFFFB0] =	vst v29  }
0x139: {  	v28 =	vld.idx.msk [tilespmem:v28+s4+$0x0], $0xffff  }
0x13a: {  	v29 =	vld.idx.msk [tilespmem:v42+s4+$0x0], $0xffff  }
0x13b: {  	s14 =	sadd.s32 $0x1, s31  }
0x13c: {  	v43 =	vmov s14  }
0x13d: {  	v30 =	vand.u32 $0xFFFFFFFD, v43  }
0x13e: {  	v30 =	vbroadcast v30, $0x0  }
0x13f: {  	v44 =	vmul.f32 v28, v17;
	v45 =	vmul.f32 v29, v21  }
0x140: {  	v46 =	vmov s31;
	v47 =	vmul.f32 v28, v18;
	v48 =	vmul.f32 v29, v22  }
0x141: {  	v49 =	vmul.f32 v28, v19;
	v50 =	vmul.f32 v29, v23;
	v31 =	vadd.f32 v45, v44  }
0x142: {  	v28 =	vmul.f32 v28, v16;
	v29 =	vmul.f32 v29, v20;
	v34 =	vadd.f32 v48, v47  }
0x143: {  	v33 =	vand.u32 $0xFFFFFFFC, v46;
	v32 =	vadd.f32 v50, v49;
	v31 =	vadd.f32 v31, v25  }
0x144: {  	v33 =	vbroadcast v33, $0x0;
	v28 =	vadd.f32 v29, v28;
	v29 =	vadd.f32 v34, v26  }
0x145: {  	v51 =	vadd.f32 v32, v27;
	[tilespmem:s0+$0x10] =	vst v31  }
0x146: {  	v28 =	vadd.f32 v28, v24;
	[tilespmem:s0+$0x20] =	vst v29  }
0x147: {  	[tilespmem:s0+$0x30] =	vst v51  }
0x148: {  	[tilespmem:s0+$0x0] =	vst v28  }
0x149: {  	v28 =	vld.idx.msk [tilespmem:v30+s4+$0x0], $0xffff  }
0x14a: {  	v29 =	vld.idx.msk [tilespmem:v33+s4+$0x0], $0xffff;
	_ =	sdelay $0x3  }
0x14b: {  	s10 =	sadd.s32 $0x2, s31  }
0x14c: {  	v52 =	vmov s10;
	v53 =	vmul.f32 v28, v20;
	v54 =	vmul.f32 v29, v16  }
0x14d: {  	v30 =	vand.u32 $0xFFFFFFFE, v52;
	v33 =	vmul.f32 v29, v17;
	v55 =	vmul.f32 v28, v21  }
0x14e: {  	v56 =	vmul.f32 v28, v22;
	v57 =	vmul.f32 v29, v18;
	v31 =	vadd.f32 v53, v54  }
0x14f: {  	v28 =	vmul.f32 v28, v23;
	v29 =	vmul.f32 v29, v19;
	v33 =	vadd.f32 v55, v33  }
0x150: {  	v30 =	vbroadcast v30, $0x0;
	v32 =	vadd.f32 v56, v57;
	v31 =	vadd.f32 v31, v24  }
0x151: {  	s12 =	sadd.s32 $0x100, s1;
	s14 =	sadd.s32 $0x3, s31;
	v28 =	vadd.f32 v28, v29;
	v33 =	vadd.f32 v33, v25  }
0x152: {  	v58 =	vmov s14;
	v29 =	vadd.f32 v32, v26;
	[tilespmem:s12+$0xFFFFFF80] =	vst v31  }
0x153: {  	v28 =	vadd.f32 v28, v27;
	[tilespmem:s12+$0xFFFFFF90] =	vst v33  }
0x154: {  	[tilespmem:s12+$0xFFFFFFA0] =	vst v29  }
0x155: {  	[tilespmem:s12+$0xFFFFFFB0] =	vst v28  }
0x156: {  	v28 =	vld.idx.msk [tilespmem:v30+s4+$0x0], $0xffff  }
0x157: {  	v29 =	vld.idx.msk [tilespmem:v58+s4+$0x0], $0xffff;
	_ =	sdelay $0x4  }
0x158: {  	v30 =	vmul.f32 v28, v17;
	v31 =	vmul.f32 v29, v21  }
0x159: {  	v59 =	vmul.f32 v28, v18;
	v60 =	vmul.f32 v29, v22  }
0x15a: {  	v61 =	vmul.f32 v28, v19;
	v62 =	vmul.f32 v29, v23;
	v30 =	vadd.f32 v31, v30  }
0x15b: {  	v28 =	vmul.f32 v28, v16;
	v29 =	vmul.f32 v29, v20;
	v32 =	vadd.f32 v60, v59  }
0x15c: {  	v31 =	vadd.f32 v62, v61;
	v30 =	vadd.f32 v30, v25  }
0x15d: {  	v28 =	vadd.f32 v29, v28;
	v29 =	vadd.f32 v32, v26  }
0x15e: {  	v63 =	vadd.f32 v31, v27;
	[tilespmem:s12+$0x10] =	vst v30  }
0x15f: {  	v28 =	vadd.f32 v28, v24;
	[tilespmem:s12+$0x20] =	vst v29  }
0x160: {  	[tilespmem:s12+$0x30] =	vst v63  }
0x161: {  	[tilespmem:s12+$0x0] =	vst v28  }
0x162: {  	_ =	swait.ge [sflag:s18], $0x4000  }
0x163: {  	[sflag:s18] =	ssyncset.done $0x0  }
0x164: {  	s31 =	simm.s32 $0x3380;
	[sflag:s18] =	ssyncadd.s32 $0xFFFFC000  }
0x165: {  	v28 =	vld [tilespmem:s31+$0xFFFFFF80];
	_ =	sdelay $0x3  }
0x166: {  	s0 =	simm.s32 $0xB3C0  }
0x167: {  	[tilespmem:s0+$0xFFFFFF80] =	vst v28  }
0x168: {  	v28 =	vld [tilespmem:s31+$0xFFFFFF90];
	_ =	sdelay $0x4  }
0x169: {  	[tilespmem:s0+$0xFFFFFF90] =	vst v28  }
0x16a: {  	v28 =	vld [tilespmem:s31+$0xFFFFFFA0];
	_ =	sdelay $0x4  }
0x16b: {  	[tilespmem:s0+$0xFFFFFFA0] =	vst v28  }
0x16c: {  	v28 =	vld [tilespmem:s31+$0xFFFFFFB0];
	_ =	sdelay $0x4  }
0x16d: {  	[tilespmem:s0+$0xFFFFFFB0] =	vst v28  }
0x16e: {  	v28 =	vld [tilespmem:s31+$0x0];
	_ =	sdelay $0x4  }
0x16f: {  	[tilespmem:s0+$0x0] =	vst v28  }
0x170: {  	v28 =	vld [tilespmem:s31+$0x10];
	_ =	sdelay $0x4  }
0x171: {  	[tilespmem:s0+$0x10] =	vst v28  }
0x172: {  	v28 =	vld [tilespmem:s31+$0x20];
	_ =	sdelay $0x4  }
0x173: {  	[tilespmem:s0+$0x20] =	vst v28  }
0x174: {  	v28 =	vld [tilespmem:s31+$0x30];
	_ =	sdelay $0x4  }
0x175: {  	s1 =	simm.s32 $0x0;
	s2 =	simm.s32 $0x3480;
	[tilespmem:s0+$0x30] =	vst v28  }
.LBB2_5:
0x176: {  	v28 =	vld [tilespmem:s2+$0xFFFFFF80];
	s1 =	sadd.s32 $0x2, s1  }
0x177: {  	p0 =	slt.u32 s1, $0x7E;
	_ =	sdelay $0x2  }
0x178: {  	s0 =	sadd.s32 $0x100, s0  }
0x179: {  	[tilespmem:s0+$0xFFFFFF80] =	vst v28  }
0x17a: {  	v28 =	vld [tilespmem:s2+$0xFFFFFF90];
	_ =	sdelay $0x4  }
0x17b: {  	[tilespmem:s0+$0xFFFFFF90] =	vst v28  }
0x17c: {  	v28 =	vld [tilespmem:s2+$0xFFFFFFA0];
	_ =	sdelay $0x4  }
0x17d: {  	[tilespmem:s0+$0xFFFFFFA0] =	vst v28  }
0x17e: {  	v28 =	vld [tilespmem:s2+$0xFFFFFFB0];
	_ =	sdelay $0x4  }
0x17f: {  	[tilespmem:s0+$0xFFFFFFB0] =	vst v28  }
0x180: {  	v28 =	vld [tilespmem:s2+$0x0];
	_ =	sdelay $0x4  }
0x181: {  	[tilespmem:s0+$0x0] =	vst v28  }
0x182: {  	v28 =	vld [tilespmem:s2+$0x10];
	_ =	sdelay $0x4  }
0x183: {  	[tilespmem:s0+$0x10] =	vst v28  }
0x184: {  	v28 =	vld [tilespmem:s2+$0x20];
	_ =	sdelay $0x4  }
0x185: {  	[tilespmem:s0+$0x20] =	vst v28  }
0x186: {  	v28 =	vld [tilespmem:s2+$0x30]  }
.Ltmp1:
0x187: {  	(pc) =	sbr.rel @p0 .LBB2_5-.Ltmp1, $2  }
0x188: {  	_ =	sdelay $0x2  }
0x189: {  	s2 =	sadd.s32 $0x100, s2;
	[tilespmem:s0+$0x30] =	vst v28  }
0x18a: {  	p0 =	seq.s32 s28, $0x18  }
0x18b: {  	v28 =	vlaneseq.u32 @!p0  }
0x18c: {  	v28 =	vmul.u32 @!p0 $0x2, v28  }
0x18d: {  	s0 =	sshll.u32 s28, $0xF;
	s1 =	sadd.s32 @!p0 $0x200, s30  }
0x18e: {  	s0 =	sadd.s32 s8, s0;
	v29 =	vor.u32 @!p0 s1, v28;
	v30 =	vor.u32 @!p0 $0x1, v28  }
0x18f: {  	s0 =	sshrl.u32 s0, $0x3;
	v31 =	vor.u32 @!p0 s1, v30  }
0x190: {  	s0 =	sadd.s32 s3, s0  }
0x191: {  	[hbm4b:s0+s4] =	stream.linear.scatter [tilespmem:s19], [sflag:$0x3], $0x4000, $0x38;
	[tilespmem:$0x13400] =	vst v63  }
0x192: {  	s0 =	simm.s32 @!p0 $0x0  }
0x193: {  	v29 =	vld.idx.msk @!p0 [tilespmem:v29+s0+$0x0], $0xffff  }
0x194: {  	v31 =	vld.idx.msk @!p0 [tilespmem:v31+s0+$0x0], $0xffff;
	_ =	sdelay $0x3  }
0x195: {  	v29 =	vmul.f32 @!p0 $1.024000000e+03, v29  }
0x196: {  	v31 =	vmul.f32 @!p0 $1.024000000e+03, v31  }
0x197: {  	v29 =	vtrunc.f32 @!p0 v29  }
0x198: {  	v29 =	vcvt.f32.s32 @!p0 v29;
	v31 =	vtrunc.f32 @!p0 v31  }
0x199: {  	v31 =	vcvt.f32.s32 @!p0 v31  }
0x19a: {  	v33 =	vor.u32 @!p0 $0x21, v28;
	s1 =	sadd.s32 @!p0 $0x220, s30;
	vm0 =	vgt.s32 @!p0 v29, $0x0  }
0x19b: {  	v32 =	vor.u32 @!p0 s1, v28;
	v29 =	vnsel @!p0 vm0, $0x0, v29;
	vm0 =	vgt.s32 @!p0 v31, $0x0  }
0x19c: {  	v34 =	vor.u32 @!p0 s1, v33;
	v29 =	vmin.u32 @!p0 v29, $0x3FF;
	v31 =	vnsel @!p0 vm0, $0x0, v31  }
0x19d: {  	v31 =	vmin.u32 @!p0 v31, $0x3FF;
	v29 =	vshll.u32 @!p0 v29, $0xA  }
0x19e: {  	v29 =	vor.u32 @!p0 v31, v29  }
0x19f: {  	[tilespmem:$0x3200] =	vst @!p0 v29  }
0x1a0: {  	v29 =	vld.idx.msk @!p0 [tilespmem:v32+s0+$0x0], $0xffff  }
0x1a1: {  	v31 =	vld.idx.msk @!p0 [tilespmem:v34+s0+$0x0], $0xffff;
	_ =	sdelay $0x3  }
0x1a2: {  	v29 =	vmul.f32 @!p0 $1.024000000e+03, v29  }
0x1a3: {  	v31 =	vmul.f32 @!p0 $1.024000000e+03, v31  }
0x1a4: {  	v29 =	vtrunc.f32 @!p0 v29  }
0x1a5: {  	v31 =	vtrunc.f32 @!p0 v31;
	v29 =	vcvt.f32.s32 @!p0 v29  }
0x1a6: {  	s1 =	sadd.s32 @!p0 $0x240, s30;
	v31 =	vcvt.f32.s32 @!p0 v31  }
0x1a7: {  	v32 =	vor.u32 @!p0 s1, v28;
	vm0 =	vgt.s32 @!p0 v29, $0x0  }
0x1a8: {  	v34 =	vor.u32 @!p0 $0x41, v28;
	v29 =	vnsel @!p0 vm0, $0x0, v29;
	vm0 =	vgt.s32 @!p0 v31, $0x0  }
0x1a9: {  	v35 =	vor.u32 @!p0 s1, v34;
	v29 =	vmin.u32 @!p0 v29, $0x3FF;
	v31 =	vnsel @!p0 vm0, $0x0, v31  }
0x1aa: {  	v31 =	vmin.u32 @!p0 v31, $0x3FF;
	v29 =	vshll.u32 @!p0 v29, $0xA  }
0x1ab: {  	v29 =	vor.u32 @!p0 v31, v29  }
0x1ac: {  	[tilespmem:$0x3210] =	vst @!p0 v29  }
0x1ad: {  	v29 =	vld.idx.msk @!p0 [tilespmem:v32+s0+$0x0], $0xffff  }
0x1ae: {  	v31 =	vld.idx.msk @!p0 [tilespmem:v35+s0+$0x0], $0xffff;
	_ =	sdelay $0x3  }
0x1af: {  	v29 =	vmul.f32 @!p0 $1.024000000e+03, v29  }
0x1b0: {  	v31 =	vmul.f32 @!p0 $1.024000000e+03, v31  }
0x1b1: {  	v29 =	vtrunc.f32 @!p0 v29  }
0x1b2: {  	v31 =	vtrunc.f32 @!p0 v31;
	v29 =	vcvt.f32.s32 @!p0 v29  }
0x1b3: {  	s1 =	sadd.s32 @!p0 $0x260, s30;
	v31 =	vcvt.f32.s32 @!p0 v31  }
0x1b4: {  	v32 =	vor.u32 @!p0 s1, v28;
	vm0 =	vgt.s32 @!p0 v29, $0x0  }
0x1b5: {  	v35 =	vor.u32 @!p0 $0x61, v28;
	v29 =	vnsel @!p0 vm0, $0x0, v29;
	vm0 =	vgt.s32 @!p0 v31, $0x0  }
0x1b6: {  	v36 =	vor.u32 @!p0 s1, v35;
	v29 =	vmin.u32 @!p0 v29, $0x3FF;
	v31 =	vnsel @!p0 vm0, $0x0, v31  }
0x1b7: {  	v31 =	vmin.u32 @!p0 v31, $0x3FF;
	v29 =	vshll.u32 @!p0 v29, $0xA  }
0x1b8: {  	v29 =	vor.u32 @!p0 v31, v29  }
0x1b9: {  	[tilespmem:$0x3220] =	vst @!p0 v29  }
0x1ba: {  	v29 =	vld.idx.msk @!p0 [tilespmem:v32+s0+$0x0], $0xffff  }
0x1bb: {  	v31 =	vld.idx.msk @!p0 [tilespmem:v36+s0+$0x0], $0xffff;
	_ =	sdelay $0x3  }
0x1bc: {  	v29 =	vmul.f32 @!p0 $1.024000000e+03, v29  }
0x1bd: {  	v31 =	vmul.f32 @!p0 $1.024000000e+03, v31  }
0x1be: {  	v29 =	vtrunc.f32 @!p0 v29  }
0x1bf: {  	v31 =	vtrunc.f32 @!p0 v31;
	v29 =	vcvt.f32.s32 @!p0 v29  }
0x1c0: {  	v31 =	vcvt.f32.s32 @!p0 v31  }
0x1c1: {  	s1 =	sadd.s32 @!p0 $0x280, s30;
	vm0 =	vgt.s32 @!p0 v29, $0x0  }
0x1c2: {  	v32 =	vor.u32 @!p0 s1, v28;
	v29 =	vnsel @!p0 vm0, $0x0, v29;
	vm0 =	vgt.s32 @!p0 v31, $0x0  }
0x1c3: {  	v30 =	vor.u32 @!p0 s1, v30;
	v31 =	vnsel @!p0 vm0, $0x0, v31;
	v29 =	vmin.u32 @!p0 v29, $0x3FF  }
0x1c4: {  	v31 =	vmin.u32 @!p0 v31, $0x3FF;
	v29 =	vshll.u32 @!p0 v29, $0xA  }
0x1c5: {  	v29 =	vor.u32 @!p0 v31, v29  }
0x1c6: {  	[tilespmem:$0x3230] =	vst @!p0 v29  }
0x1c7: {  	v29 =	vld.idx.msk @!p0 [tilespmem:v32+s0+$0x0], $0xffff  }
0x1c8: {  	v30 =	vld.idx.msk @!p0 [tilespmem:v30+s0+$0x0], $0xffff;
	_ =	sdelay $0x3  }
0x1c9: {  	v29 =	vmul.f32 @!p0 $1.024000000e+03, v29  }
0x1ca: {  	v30 =	vmul.f32 @!p0 $1.024000000e+03, v30  }
0x1cb: {  	v29 =	vtrunc.f32 @!p0 v29  }
0x1cc: {  	v30 =	vtrunc.f32 @!p0 v30;
	v29 =	vcvt.f32.s32 @!p0 v29  }
0x1cd: {  	v30 =	vcvt.f32.s32 @!p0 v30  }
0x1ce: {  	s1 =	sadd.s32 @!p0 $0x2A0, s30;
	vm0 =	vgt.s32 @!p0 v29, $0x0  }
0x1cf: {  	v31 =	vor.u32 @!p0 s1, v28;
	v29 =	vnsel @!p0 vm0, $0x0, v29;
	vm0 =	vgt.s32 @!p0 v30, $0x0  }
0x1d0: {  	v32 =	vor.u32 @!p0 s1, v33;
	v29 =	vmin.u32 @!p0 v29, $0x3FF;
	v30 =	vnsel @!p0 vm0, $0x0, v30  }
0x1d1: {  	v30 =	vmin.u32 @!p0 v30, $0x3FF;
	v29 =	vshll.u32 @!p0 v29, $0xA  }
0x1d2: {  	v29 =	vor.u32 @!p0 v30, v29  }
0x1d3: {  	[tilespmem:$0x3240] =	vst @!p0 v29  }
0x1d4: {  	v29 =	vld.idx.msk @!p0 [tilespmem:v31+s0+$0x0], $0xffff  }
0x1d5: {  	v30 =	vld.idx.msk @!p0 [tilespmem:v32+s0+$0x0], $0xffff;
	_ =	sdelay $0x3  }
0x1d6: {  	v29 =	vmul.f32 @!p0 $1.024000000e+03, v29  }
0x1d7: {  	v30 =	vmul.f32 @!p0 $1.024000000e+03, v30  }
0x1d8: {  	v29 =	vtrunc.f32 @!p0 v29  }
0x1d9: {  	v30 =	vtrunc.f32 @!p0 v30;
	v29 =	vcvt.f32.s32 @!p0 v29  }
0x1da: {  	v30 =	vcvt.f32.s32 @!p0 v30  }
0x1db: {  	s1 =	sadd.s32 @!p0 $0x2C0, s30;
	vm0 =	vgt.s32 @!p0 v29, $0x0  }
0x1dc: {  	v31 =	vor.u32 @!p0 s1, v28;
	v29 =	vnsel @!p0 vm0, $0x0, v29;
	vm0 =	vgt.s32 @!p0 v30, $0x0  }
0x1dd: {  	v32 =	vor.u32 @!p0 s1, v34;
	v29 =	vmin.u32 @!p0 v29, $0x3FF;
	v30 =	vnsel @!p0 vm0, $0x0, v30  }
0x1de: {  	v30 =	vmin.u32 @!p0 v30, $0x3FF;
	v29 =	vshll.u32 @!p0 v29, $0xA  }
0x1df: {  	v29 =	vor.u32 @!p0 v30, v29  }
0x1e0: {  	[tilespmem:$0x3250] =	vst @!p0 v29  }
0x1e1: {  	v29 =	vld.idx.msk @!p0 [tilespmem:v31+s0+$0x0], $0xffff  }
0x1e2: {  	v30 =	vld.idx.msk @!p0 [tilespmem:v32+s0+$0x0], $0xffff;
	_ =	sdelay $0x3  }
0x1e3: {  	v29 =	vmul.f32 @!p0 $1.024000000e+03, v29  }
0x1e4: {  	v30 =	vmul.f32 @!p0 $1.024000000e+03, v30  }
0x1e5: {  	v29 =	vtrunc.f32 @!p0 v29  }
0x1e6: {  	v30 =	vtrunc.f32 @!p0 v30;
	v29 =	vcvt.f32.s32 @!p0 v29  }
0x1e7: {  	v30 =	vcvt.f32.s32 @!p0 v30  }
0x1e8: {  	s1 =	sadd.s32 @!p0 $0x2E0, s30;
	vm0 =	vgt.s32 @!p0 v29, $0x0  }
0x1e9: {  	v28 =	vor.u32 @!p0 s1, v28;
	v29 =	vnsel @!p0 vm0, $0x0, v29;
	vm0 =	vgt.s32 @!p0 v30, $0x0  }
0x1ea: {  	v31 =	vor.u32 @!p0 s1, v35;
	v29 =	vmin.u32 @!p0 v29, $0x3FF;
	v30 =	vnsel @!p0 vm0, $0x0, v30  }
0x1eb: {  	v30 =	vmin.u32 @!p0 v30, $0x3FF;
	v29 =	vshll.u32 @!p0 v29, $0xA  }
0x1ec: {  	v29 =	vor.u32 @!p0 v30, v29  }
0x1ed: {  	[tilespmem:$0x3260] =	vst @!p0 v29  }
0x1ee: {  	v28 =	vld.idx.msk @!p0 [tilespmem:v28+s0+$0x0], $0xffff  }
0x1ef: {  	v29 =	vld.idx.msk @!p0 [tilespmem:v31+s0+$0x0], $0xffff;
	_ =	sdelay $0x3  }
0x1f0: {  	v28 =	vmul.f32 @!p0 $1.024000000e+03, v28  }
0x1f1: {  	v29 =	vmul.f32 @!p0 $1.024000000e+03, v29  }
0x1f2: {  	v28 =	vtrunc.f32 @!p0 v28  }
0x1f3: {  	v29 =	vtrunc.f32 @!p0 v29;
	v28 =	vcvt.f32.s32 @!p0 v28  }
0x1f4: {  	v29 =	vcvt.f32.s32 @!p0 v29  }
0x1f5: {  	vm0 =	vgt.s32 @!p0 v28, $0x0  }
0x1f6: {  	v28 =	vnsel @!p0 vm0, $0x0, v28;
	vm0 =	vgt.s32 @!p0 v29, $0x0  }
0x1f7: {  	v28 =	vmin.u32 @!p0 v28, $0x3FF;
	v29 =	vnsel @!p0 vm0, $0x0, v29  }
0x1f8: {  	v29 =	vmin.u32 @!p0 v29, $0x3FF;
	v28 =	vshll.u32 @!p0 v28, $0xA  }
0x1f9: {  	v28 =	vor.u32 @!p0 v29, v28  }
0x1fa: {  	s2 =	simm.s32 @!p0 $0x3300;
	s1 =	simm.s32 @!p0 $0x3200;
	s0 =	simm.s32 @!p0 $0x80;
	[tilespmem:$0x3270] =	vst @!p0 v28  }
0x1fb: {  	[tilespmem:s2], [sflag:$0x1] =	stream.indirect.gather @!p0 [hbm4b:s6+s0], $0x80, s1, s0, $0xb8;
	[tilespmem:$0x13400] =	vst v63  }
0x1fc: {  	v29 =	vmov s25;
	s2 =	sadd.s32 $0x1, s25  }
0x1fd: {  	v29 =	vand.u32 $0xFFFFFFFC, v29;
	v28 =	vmov s2  }
0x1fe: {  	v29 =	vbroadcast v29, $0x0;
	v28 =	vand.u32 $0xFFFFFFFD, v28  }
0x1ff: {  	p1 =	seq.s32 @!p0 s28, $0x0;
	v28 =	vbroadcast v28, $0x0  }
0x200: {  	p0 =	por p0, !p1  }
0x201: {  	_ =	swait.ge @p0 [sflag:s23], $0x4000  }
0x202: {  	[sflag:s23] =	ssyncset.done @p0 $0x0  }
0x203: {  	[sflag:s23] =	ssyncadd.s32 @p0 $0xFFFFC000  }
0x204: {  	v29 =	vld.idx.msk [tilespmem:v29+s4+$0x0], $0xffff  }
0x205: {  	v28 =	vld.idx.msk [tilespmem:v28+s4+$0x0], $0xffff;
	_ =	sdelay $0x3  }
0x206: {  	s10 =	sadd.s32 $0x2, s25  }
0x207: {  	v30 =	vmov s10;
	v57 =	vmul.f32 v29, v16;
	v31 =	vmul.f32 v28, v20  }
0x208: {  	v30 =	vand.u32 $0xFFFFFFFE, v30;
	v58 =	vmul.f32 v29, v17;
	v59 =	vmul.f32 v28, v21  }
0x209: {  	v61 =	vmul.f32 v29, v18;
	v60 =	vmul.f32 v28, v22;
	v31 =	vadd.f32 v31, v57  }
0x20a: {  	v29 =	vmul.f32 v29, v19;
	v28 =	vmul.f32 v28, v23;
	v33 =	vadd.f32 v59, v58  }
0x20b: {  	v30 =	vbroadcast v30, $0x0;
	v32 =	vadd.f32 v60, v61;
	v31 =	vadd.f32 v31, v24  }
0x20c: {  	s10 =	simm.s32 $0xF380;
	v28 =	vadd.f32 v28, v29;
	v33 =	vadd.f32 v33, v25  }
0x20d: {  	s12 =	sadd.s32 $0x3, s25;
	v29 =	vadd.f32 v32, v26;
	[tilespmem:s10+$0xFFFFFF80] =	vst v31  }
0x20e: {  	v62 =	vmov s12;
	s2 =	sadd.s32 $0x4, s25;
	v28 =	vadd.f32 v28, v27;
	[tilespmem:s10+$0xFFFFFF90] =	vst v33  }
0x20f: {  	s14 =	sadd.s32 $0x1, s2;
	[tilespmem:s10+$0xFFFFFFA0] =	vst v29  }
0x210: {  	s31 =	sadd.s32 $0x2, s2;
	[tilespmem:s10+$0xFFFFFFB0] =	vst v28;
	v28 =	vmov s14  }
0x211: {  	v63 =	vmov s31;
	v31 =	vld.idx.msk [tilespmem:v30+s4+$0x0], $0xffff;
	v28 =	vand.u32 $0xFFFFFFFD, v28;
	v30 =	vmov s2  }
0x212: {  	v33 =	vand.u32 $0xFFFFFFFE, v63;
	v29 =	vbroadcast v28, $0x0;
	v28 =	vand.u32 $0xFFFFFFFC, v30  }
0x213: {  	v30 =	vbroadcast v28, $0x0;
	v28 =	vbroadcast v33, $0x0;
	v33 =	vld.idx.msk [tilespmem:v62+s4+$0x0], $0xffff;
	_ =	sdelay $0x2  }
0x214: {  	s12 =	simm.s32 $0x4  }
0x215: {  	s1 =	simm.s32 $0xF480;
	s0 =	simm.s32 $0xF480;
	s30 =	sadd.s32 $0x4, s2;
	v32 =	vmul.f32 v31, v16;
	v34 =	vmul.f32 v31, v17  }
.LBB2_7:
0x216: {  	s12 =	sadd.s32 $0x2, s12;
	s14 =	sadd.s32 $0x1, s30;
	s1 =	sadd.s32 $0x100, s1;
	v35 =	vmul.f32 v33, v21;
	v36 =	vmul.f32 v31, v18  }
0x217: {  	v38 =	vmul.f32 v33, v22;
	v31 =	vmul.f32 v31, v19;
	p0 =	slt.u32 s12, $0x7E;
	v37 =	vmov s14  }
0x218: {  	v37 =	vand.u32 $0xFFFFFFFD, v37;
	v34 =	vadd.f32 v35, v34;
	v35 =	vmul.f32 v33, v23  }
0x219: {  	v33 =	vmul.f32 v33, v20;
	v36 =	vadd.f32 v38, v36;
	v37 =	vbroadcast v37, $0x0  }
0x21a: {  	v38 =	vmov s30;
	v34 =	vadd.f32 v34, v25;
	v31 =	vadd.f32 v35, v31  }
0x21b: {  	v32 =	vadd.f32 v33, v32;
	v33 =	vadd.f32 v36, v26  }
0x21c: {  	v35 =	vand.u32 $0xFFFFFFFC, v38;
	[tilespmem:s10+$0x10] =	vst v34;
	v31 =	vadd.f32 v31, v27  }
0x21d: {  	v34 =	vbroadcast v35, $0x0;
	v32 =	vadd.f32 v32, v24;
	[tilespmem:s10+$0x20] =	vst v33  }
0x21e: {  	[tilespmem:s10+$0x30] =	vst v31  }
0x21f: {  	[tilespmem:s10+$0x0] =	vst v32;
	s10 =	smov.u32 s0;
	s0 =	smov.u32 s1  }
0x220: {  	v31 =	vld.idx.msk [tilespmem:v29+s4+$0x0], $0xffff;
	v29 =	vmov v37  }
0x221: {  	v32 =	vld.idx.msk [tilespmem:v30+s4+$0x0], $0xffff;
	v30 =	vmov v34;
	_ =	sdelay $0x4  }
0x222: {  	v33 =	vmul.f32 v31, v20;
	v34 =	vmul.f32 v31, v23  }
0x223: {  	v36 =	vmul.f32 v31, v22;
	v35 =	vmul.f32 v32, v16  }
0x224: {  	v31 =	vmul.f32 v31, v21;
	v37 =	vmul.f32 v32, v17  }
0x225: {  	v33 =	vadd.f32 v33, v35;
	v35 =	vmul.f32 v32, v18;
	v32 =	vmul.f32 v32, v19  }
0x226: {  	v31 =	vadd.f32 v31, v37  }
0x227: {  	s14 =	sadd.s32 $0x2, s30;
	v33 =	vadd.f32 v33, v24;
	v35 =	vadd.f32 v36, v35  }
0x228: {  	v36 =	vmov s14;
	v31 =	vadd.f32 v31, v25;
	v32 =	vadd.f32 v34, v32;
	s14 =	sadd.s32 $0x3, s2;
	s2 =	smov.u32 s30  }
0x229: {  	v34 =	vand.u32 $0xFFFFFFFE, v36;
	[tilespmem:s10+$0xFFFFFF80] =	vst v33;
	v33 =	vadd.f32 v35, v26;
	v35 =	vmov s14  }
0x22a: {  	v34 =	vbroadcast v34, $0x0;
	[tilespmem:s10+$0xFFFFFF90] =	vst v31;
	v31 =	vadd.f32 v32, v27  }
0x22b: {  	[tilespmem:s10+$0xFFFFFFA0] =	vst v33  }
0x22c: {  	[tilespmem:s10+$0xFFFFFFB0] =	vst v31  }
0x22d: {  	v31 =	vld.idx.msk [tilespmem:v28+s4+$0x0], $0xffff;
	v28 =	vmov v34  }
0x22e: {  	v33 =	vld.idx.msk [tilespmem:v35+s4+$0x0], $0xffff  }
.Ltmp2:
0x22f: {  	(pc) =	sbr.rel @p0 .LBB2_7-.Ltmp2, $2  }
0x230: {  	_ =	sdelay $0x2  }
0x231: {  	s30 =	sadd.s32 $0x4, s30;
	v32 =	vmul.f32 v31, v16;
	v34 =	vmul.f32 v31, v17  }
0x232: {  	v35 =	vmul.f32 v33, v21  }
0x233: {  	v36 =	vmul.f32 v31, v18;
	v37 =	vmul.f32 v33, v22  }
0x234: {  	v59 =	vmul.f32 v31, v19;
	v60 =	vmul.f32 v33, v23;
	v34 =	vadd.f32 v35, v34  }
0x235: {  	v61 =	vmul.f32 v33, v20;
	v36 =	vadd.f32 v37, v36  }
0x236: {  	v31 =	vadd.f32 v60, v59;
	v34 =	vadd.f32 v34, v25  }
0x237: {  	v32 =	vadd.f32 v61, v32;
	v62 =	vadd.f32 v36, v26  }
0x238: {  	v31 =	vadd.f32 v31, v27;
	[tilespmem:s10+$0x10] =	vst v34  }
0x239: {  	v32 =	vadd.f32 v32, v24;
	[tilespmem:s10+$0x20] =	vst v62  }
0x23a: {  	[tilespmem:s10+$0x30] =	vst v31  }
0x23b: {  	[tilespmem:s10+$0x0] =	vst v32  }
0x23c: {  	v29 =	vld.idx.msk [tilespmem:v29+s4+$0x0], $0xffff  }
0x23d: {  	v30 =	vld.idx.msk [tilespmem:v30+s4+$0x0], $0xffff;
	_ =	sdelay $0x4  }
0x23e: {  	v63 =	vmul.f32 v29, v20;
	v36 =	vmul.f32 v30, v16  }
0x23f: {  	v37 =	vmul.f32 v30, v17;
	v38 =	vmul.f32 v29, v21  }
0x240: {  	v39 =	vmul.f32 v29, v22;
	v40 =	vmul.f32 v30, v18;
	v31 =	vadd.f32 v63, v36  }
0x241: {  	v29 =	vmul.f32 v29, v23;
	v30 =	vmul.f32 v30, v19;
	v33 =	vadd.f32 v38, v37  }
0x242: {  	v32 =	vadd.f32 v39, v40;
	v31 =	vadd.f32 v31, v24  }
0x243: {  	s2 =	sadd.s32 $0x3, s2;
	v29 =	vadd.f32 v29, v30;
	v33 =	vadd.f32 v33, v25  }
0x244: {  	v42 =	vmov s2;
	v41 =	vadd.f32 v32, v26;
	[tilespmem:s0+$0xFFFFFF80] =	vst v31  }
0x245: {  	v29 =	vadd.f32 v29, v27;
	[tilespmem:s0+$0xFFFFFF90] =	vst v33  }
0x246: {  	[tilespmem:s0+$0xFFFFFFA0] =	vst v41  }
0x247: {  	[tilespmem:s0+$0xFFFFFFB0] =	vst v29  }
0x248: {  	v28 =	vld.idx.msk [tilespmem:v28+s4+$0x0], $0xffff  }
0x249: {  	v29 =	vld.idx.msk [tilespmem:v42+s4+$0x0], $0xffff  }
0x24a: {  	s10 =	sadd.s32 $0x1, s30  }
0x24b: {  	v43 =	vmov s10  }
0x24c: {  	v30 =	vand.u32 $0xFFFFFFFD, v43  }
0x24d: {  	v30 =	vbroadcast v30, $0x0  }
0x24e: {  	v44 =	vmul.f32 v28, v17;
	v45 =	vmul.f32 v29, v21  }
0x24f: {  	v46 =	vmov s30;
	v47 =	vmul.f32 v28, v18;
	v48 =	vmul.f32 v29, v22  }
0x250: {  	v49 =	vmul.f32 v28, v19;
	v50 =	vmul.f32 v29, v23;
	v31 =	vadd.f32 v45, v44  }
0x251: {  	v28 =	vmul.f32 v28, v16;
	v29 =	vmul.f32 v29, v20;
	v34 =	vadd.f32 v48, v47  }
0x252: {  	v33 =	vand.u32 $0xFFFFFFFC, v46;
	v32 =	vadd.f32 v50, v49;
	v31 =	vadd.f32 v31, v25  }
0x253: {  	v33 =	vbroadcast v33, $0x0;
	v28 =	vadd.f32 v29, v28;
	v29 =	vadd.f32 v34, v26  }
0x254: {  	v51 =	vadd.f32 v32, v27;
	[tilespmem:s0+$0x10] =	vst v31  }
0x255: {  	v28 =	vadd.f32 v28, v24;
	[tilespmem:s0+$0x20] =	vst v29  }
0x256: {  	[tilespmem:s0+$0x30] =	vst v51  }
0x257: {  	[tilespmem:s0+$0x0] =	vst v28  }
0x258: {  	v28 =	vld.idx.msk [tilespmem:v30+s4+$0x0], $0xffff  }
0x259: {  	v29 =	vld.idx.msk [tilespmem:v33+s4+$0x0], $0xffff;
	_ =	sdelay $0x3  }
0x25a: {  	s12 =	sadd.s32 $0x2, s30  }
0x25b: {  	v52 =	vmov s12;
	v53 =	vmul.f32 v28, v20;
	v54 =	vmul.f32 v29, v16  }
0x25c: {  	v30 =	vand.u32 $0xFFFFFFFE, v52;
	v33 =	vmul.f32 v29, v17;
	v55 =	vmul.f32 v28, v21  }
0x25d: {  	v56 =	vmul.f32 v28, v22;
	v57 =	vmul.f32 v29, v18;
	v31 =	vadd.f32 v53, v54  }
0x25e: {  	v28 =	vmul.f32 v28, v23;
	v29 =	vmul.f32 v29, v19;
	v33 =	vadd.f32 v55, v33  }
0x25f: {  	v30 =	vbroadcast v30, $0x0;
	v32 =	vadd.f32 v56, v57;
	v31 =	vadd.f32 v31, v24  }
0x260: {  	s14 =	sadd.s32 $0x100, s1;
	s30 =	sadd.s32 $0x3, s30;
	v28 =	vadd.f32 v28, v29;
	v33 =	vadd.f32 v33, v25  }
0x261: {  	v58 =	vmov s30;
	v29 =	vadd.f32 v32, v26;
	[tilespmem:s14+$0xFFFFFF80] =	vst v31  }
0x262: {  	v28 =	vadd.f32 v28, v27;
	[tilespmem:s14+$0xFFFFFF90] =	vst v33  }
0x263: {  	[tilespmem:s14+$0xFFFFFFA0] =	vst v29  }
0x264: {  	[tilespmem:s14+$0xFFFFFFB0] =	vst v28  }
0x265: {  	v28 =	vld.idx.msk [tilespmem:v30+s4+$0x0], $0xffff  }
0x266: {  	v29 =	vld.idx.msk [tilespmem:v58+s4+$0x0], $0xffff;
	_ =	sdelay $0x4  }
0x267: {  	v30 =	vmul.f32 v28, v17;
	v31 =	vmul.f32 v29, v21  }
0x268: {  	v59 =	vmul.f32 v28, v18;
	v60 =	vmul.f32 v29, v22  }
0x269: {  	v61 =	vmul.f32 v28, v19;
	v62 =	vmul.f32 v29, v23;
	v30 =	vadd.f32 v31, v30  }
0x26a: {  	v28 =	vmul.f32 v28, v16;
	v29 =	vmul.f32 v29, v20;
	v32 =	vadd.f32 v60, v59  }
0x26b: {  	v31 =	vadd.f32 v62, v61;
	v30 =	vadd.f32 v30, v25  }
0x26c: {  	v28 =	vadd.f32 v29, v28;
	v29 =	vadd.f32 v32, v26  }
0x26d: {  	v63 =	vadd.f32 v31, v27;
	[tilespmem:s14+$0x10] =	vst v30  }
0x26e: {  	v28 =	vadd.f32 v28, v24;
	[tilespmem:s14+$0x20] =	vst v29  }
0x26f: {  	[tilespmem:s14+$0x30] =	vst v63  }
0x270: {  	[tilespmem:s14+$0x0] =	vst v28  }
0x271: {  	_ =	swait.ge [sflag:s20], $0x4000  }
0x272: {  	[sflag:s20] =	ssyncset.done $0x0  }
0x273: {  	s31 =	simm.s32 $0x7380;
	[sflag:s20] =	ssyncadd.s32 $0xFFFFC000  }
0x274: {  	v28 =	vld [tilespmem:s31+$0xFFFFFF80];
	_ =	sdelay $0x3  }
0x275: {  	s0 =	simm.s32 $0xF3C0  }
0x276: {  	[tilespmem:s0+$0xFFFFFF80] =	vst v28  }
0x277: {  	v28 =	vld [tilespmem:s31+$0xFFFFFF90];
	_ =	sdelay $0x4  }
0x278: {  	[tilespmem:s0+$0xFFFFFF90] =	vst v28  }
0x279: {  	v28 =	vld [tilespmem:s31+$0xFFFFFFA0];
	_ =	sdelay $0x4  }
0x27a: {  	[tilespmem:s0+$0xFFFFFFA0] =	vst v28  }
0x27b: {  	v28 =	vld [tilespmem:s31+$0xFFFFFFB0];
	_ =	sdelay $0x4  }
0x27c: {  	[tilespmem:s0+$0xFFFFFFB0] =	vst v28  }
0x27d: {  	v28 =	vld [tilespmem:s31+$0x0];
	_ =	sdelay $0x4  }
0x27e: {  	[tilespmem:s0+$0x0] =	vst v28  }
0x27f: {  	v28 =	vld [tilespmem:s31+$0x10];
	_ =	sdelay $0x4  }
0x280: {  	[tilespmem:s0+$0x10] =	vst v28  }
0x281: {  	v28 =	vld [tilespmem:s31+$0x20];
	_ =	sdelay $0x4  }
0x282: {  	[tilespmem:s0+$0x20] =	vst v28  }
0x283: {  	v28 =	vld [tilespmem:s31+$0x30];
	_ =	sdelay $0x4  }
0x284: {  	s1 =	simm.s32 $0x0;
	s2 =	simm.s32 $0x7480;
	[tilespmem:s0+$0x30] =	vst v28  }
.LBB2_9:
0x285: {  	v28 =	vld [tilespmem:s2+$0xFFFFFF80];
	s1 =	sadd.s32 $0x2, s1  }
0x286: {  	p0 =	slt.u32 s1, $0x7E;
	_ =	sdelay $0x2  }
0x287: {  	s0 =	sadd.s32 $0x100, s0  }
0x288: {  	[tilespmem:s0+$0xFFFFFF80] =	vst v28  }
0x289: {  	v28 =	vld [tilespmem:s2+$0xFFFFFF90];
	_ =	sdelay $0x4  }
0x28a: {  	[tilespmem:s0+$0xFFFFFF90] =	vst v28  }
0x28b: {  	v28 =	vld [tilespmem:s2+$0xFFFFFFA0];
	_ =	sdelay $0x4  }
0x28c: {  	[tilespmem:s0+$0xFFFFFFA0] =	vst v28  }
0x28d: {  	v28 =	vld [tilespmem:s2+$0xFFFFFFB0];
	_ =	sdelay $0x4  }
0x28e: {  	[tilespmem:s0+$0xFFFFFFB0] =	vst v28  }
0x28f: {  	v28 =	vld [tilespmem:s2+$0x0];
	_ =	sdelay $0x4  }
0x290: {  	[tilespmem:s0+$0x0] =	vst v28  }
0x291: {  	v28 =	vld [tilespmem:s2+$0x10];
	_ =	sdelay $0x4  }
0x292: {  	[tilespmem:s0+$0x10] =	vst v28  }
0x293: {  	v28 =	vld [tilespmem:s2+$0x20];
	_ =	sdelay $0x4  }
0x294: {  	[tilespmem:s0+$0x20] =	vst v28  }
0x295: {  	v28 =	vld [tilespmem:s2+$0x30]  }
.Ltmp3:
0x296: {  	(pc) =	sbr.rel @p0 .LBB2_9-.Ltmp3, $2  }
0x297: {  	_ =	sdelay $0x2  }
0x298: {  	s2 =	sadd.s32 $0x100, s2;
	[tilespmem:s0+$0x30] =	vst v28  }
0x299: {  	s28 =	sadd.s32 $0x1, s28  }
0x29a: {  	p0 =	sne.s32 s28, $0x19  }
.Ltmp4:
0x29b: {  	s0 =	sshll.u32 s29, $0xE;
	(pc) =	sbr.rel @p0 .LBB2_2-.Ltmp4, $4  }
0x29c: {  	s0 =	sadd.s32 s8, s0  }
0x29d: {  	s0 =	sshrl.u32 s0, $0x3  }
0x29e: {  	s26 =	sadd.s32 $0x200, s26;
	s25 =	sadd.s32 $0x200, s25;
	s0 =	sadd.s32 s3, s0  }
0x29f: {  	[hbm4b:s0+s4] =	stream.linear.scatter [tilespmem:s21], [sflag:$0x4], $0x4000, $0x38;
	[tilespmem:$0x13400] =	vst v63  }
0x2a0: {  	s24 =	sadd.s32 $0x1, s24  }
0x2a1: {  	_ =	swait.ge [sflag:s22], $0x4000;
	p0 =	sne.s32 s24, s9  }
.Ltmp5:
0x2a2: {  	[sflag:s22] =	ssyncset.done $0x0;
	(pc) =	sbr.rel @p0 .LBB2_1-.Ltmp5, $4  }
0x2a3: {  	[sflag:s22] =	ssyncadd.s32 $0xFFFFC000  }
0x2a4: {  	_ =	swait.ge [sflag:s23], $0x4000  }
0x2a5: {  	[sflag:s23] =	ssyncset.done $0x0  }
0x2a6: {  	[sflag:s23] =	ssyncadd.s32 $0xFFFFC000  }
0x2a7: {  	_ =	sfence.sel $0x180000  }
0x2a8: {  	[bflag:$0x0] =	sbarrier.arrive $0xFFFF  }
0x2a9: {  	_ =	strace $0x90000047  }
0x2aa: {  	s0 =	stileid.u32;
	[bflag:$0x2] =	sbarrier.arrive $0xFFFF  }
0x2ab: {  	p0 =	sne.s32 s0, $0x0;
	s0 =	rddreg [dreg:$0x3]  }
0x2ac: {  	s0 =	sadd.s32 @!p0 $0x100000, s0  }
0x2ad: {  	[sflag:s0] =	ssyncadd.tile.s32 @!p0 $0x1;
	_ =	shalt  }
.Lfunc_end2:
_tile_overlayer_lowered:
.L_overlay_start_2:
0x2ae: {  	(tag) =	ssettag $0x2  }
0x2af: {  	s0 =	rddreg [dreg:$0x0];
	s2 =	stileid.u32  }
0x2b0: {  	s1 =	rddreg [dreg:$0x1];
	p0 =	sne.s32 s2, $0x0  }
0x2b1: {  	s3 =	rddreg [dreg:$0x2];
	[bflag:$0x3] =	sbarrier.arrive $0xFFFF;
	s2 =	simm.s32 @!p0 $0x1C05  }
0x2b2: {  	[timem:s3], [sflag:s2] =	dma.local @!p0 [hbm:s0], s1  }
0x2b3: {  	s0 =	simm.s32 @!p0 $0x5  }
0x2b4: {  	_ =	swait.ge @!p0 [sflag:s0], s1  }
0x2b5: {  	s1 =	ssub.s32 @!p0 $0x0, s1;
	[sflag:s0] =	ssyncset.done @!p0 $0x0  }
0x2b6: {  	[sflag:s0] =	ssyncadd.s32 @!p0 s1  }
0x2b7: {  	[bflag:$0x3] =	sbarrier.arrive $0xFFFF  }
0x2b8: {  	_ =	shalt  }

</sc_bundles>
